<compile_context>
chip_gen: v7x
topology: tpu7x:2x2x1
jax: 0.10.2.dev20260603
libtpu: 0.0.44.dev20260713+nightly
codegen_flags: <defaults>
</compile_context>

<pallas_src>
import functools

import jax
import jax.numpy as jnp
from jax.experimental import pallas as pl
from jax.experimental.pallas import tpu as pltpu
from jax.experimental.pallas import tpu_sc as plsc

_F32 = jnp.float32
_BF16 = jnp.bfloat16


def _bdot(a, b):
    return jnp.dot(a.astype(_BF16), b.astype(_BF16),
                   preferred_element_type=_F32)


def _tdot(a, bt):
    return jax.lax.dot_general(
        a.astype(_BF16), bt.astype(_BF16),
        (((1,), (1,)), ((), ())), preferred_element_type=_F32)


def _ln(h, g, b):
    m = jnp.mean(h, axis=-1, keepdims=True)
    d = h - m
    v = jnp.mean(d * d, axis=-1, keepdims=True)
    return d * jax.lax.rsqrt(v + 1e-5) * g + b


def _shift_dn(x):
    z = jnp.zeros((1, x.shape[1]), x.dtype)
    return jnp.concatenate([z, x[:-1, :]], axis=0)


def _shift_up(x):
    z = jnp.zeros((1, x.shape[1]), x.dtype)
    return jnp.concatenate([x[1:, :], z], axis=0)


def _conv3(h, w_ref, b):
    h16 = h.astype(_BF16)
    w = w_ref[...].astype(_BF16)
    return (_shift_dn(_tdot(h16, w[0])) + _tdot(h16, w[1])
            + _shift_up(_tdot(h16, w[2])) + b)


def _vp_body(h, w1, b1, g1, be1, w2, b2, g2, be2, lwrow):
    h = _ln(jax.nn.relu(_conv3(h, w1, b1)), g1, be1)
    h = _ln(jax.nn.relu(_conv3(h, w2, b2)), g2, be2)
    return jax.lax.dot_general(
        lwrow.astype(_BF16), h.astype(_BF16),
        (((1,), (1,)), ((), ())), preferred_element_type=_F32)



def _bidx_kernel(NB, ptrg_ref, binsc_ref, pidx_ref):
    prow = ptrg_ref[0]
    binscol = binsc_ref[:, 0:1]
    M = (binscol < prow).astype(_BF16)
    idxrow = _bdot(jnp.full((1, NB), 1.0, _F32), M)
    pidx_ref[0, 0, :] = idxrow[0].astype(jnp.int32)



def _sc_gather(ptab, etab, pidx2d):
    BT = pidx2d.shape[1]
    D = ptab.shape[1]
    W = 128

    mesh = plsc.VectorSubcoreMesh(core_axis_name="core",
                                  subcore_axis_name="subcore")

    @pl.kernel(out_type=[jax.ShapeDtypeStruct((BT, D), ptab.dtype),
                         jax.ShapeDtypeStruct((BT, D), etab.dtype)],
               mesh=mesh)
    def sckern(p_hbm, e_hbm, i_hbm, op_hbm, oe_hbm):
        def gather_into(t_hbm, o_hbm):
            def body(i_vmem, o_vmem):
                pltpu.sync_copy(t_hbm.at[i_vmem.at[0]], o_vmem)

            pltpu.emit_pipeline(
                body,
                grid=(BT // W,),
                in_specs=[pl.BlockSpec((1, W), lambda i: (0, i))],
                out_specs=[pl.BlockSpec((W, D), lambda i: (i, 0))],
                core_axis_name=("core", "subcore"),
                dimension_semantics=(pltpu.PARALLEL,),
            )(i_hbm, o_hbm)

        gather_into(p_hbm, op_hbm)
        gather_into(e_hbm, oe_hbm)

    return sckern(ptab, etab, pidx2d)



def _mega_kernel(S, T, D, C, NB,
                 x_ref, durc_ref, ptrg_ref, hib_ref, maxd_ref,
                 dw1, db1, dg1, dbe1, dw2, db2, dg2, dbe2, dlw,
                 pw1, pb1, pg1, pbe1, pw2, pb2, pg2, pbe2, plw,
                 ew1, eb1, eg1, ebe1, ew2, eb2, eg2, ebe2, elw,
                 tabs_ref,
                 xe_ref, ppred_ref, epred_ref, dpred_ref, maskf_ref):
    xb = x_ref[0]
    durcol = durc_ref[0]
    ptrg = ptrg_ref[0]
    maxd = maxd_ref[0, 0]

    dpred = _vp_body(xb, dw1, db1[...], dg1[...], dbe1[...],
                     dw2, db2[...], dg2[...], dbe2[...], dlw[...])
    dpred_ref[0, 0, :] = dpred[0]

    r = jax.lax.broadcasted_iota(jnp.int32, (S, S), 0)
    c = jax.lax.broadcasted_iota(jnp.int32, (S, S), 1)
    upper = (r <= c).astype(_BF16)
    cum = jax.lax.dot_general(
        durcol.astype(_BF16), upper, (((0,), (0,)), ((), ())),
        preferred_element_type=_F32)
    durrow = jax.lax.dot_general(
        durcol.astype(_BF16), (r == c).astype(_BF16), (((0,), (0,)), ((), ())),
        preferred_element_type=_F32)
    cum_prev = cum - durrow
    mel_len = cum[0, S - 1]
    lim = jnp.minimum(mel_len, maxd)
    cumc = jnp.minimum(cum, lim)

    tt = jax.lax.broadcasted_iota(jnp.int32, (T, 1), 0).astype(_F32)
    E = ((cum_prev <= tt) & (tt < cumc)).astype(_BF16)
    xe0 = jnp.dot(E, xb.astype(_BF16), preferred_element_type=_F32)
    trow = jax.lax.broadcasted_iota(jnp.int32, (1, T), 1).astype(_F32)
    maskf_ref[0, 0, :] = (trow[0] >= lim).astype(_F32)

    pv = ptrg.reshape(T, 1)
    hib = hib_ref[0:1, :]
    lob = jnp.concatenate([jnp.full((1, 1), -1e30, _F32), hib[:, :NB - 1]],
                          axis=1)
    onehot = ((lob < pv) & (pv <= hib)).astype(_BF16)
    embs = jnp.dot(onehot, tabs_ref[...].astype(_BF16),
                   preferred_element_type=_F32)
    pemb = embs[:, :D]
    eemb = embs[:, D:]

    ppred = _vp_body(xe0, pw1, pb1[...], pg1[...], pbe1[...],
                     pw2, pb2[...], pg2[...], pbe2[...], plw[...])
    ppred_ref[0, 0, :] = ppred[0]
    xe1 = xe0 + pemb

    epred = _vp_body(xe1, ew1, eb1[...], eg1[...], ebe1[...],
                     ew2, eb2[...], eg2[...], ebe2[...], elw[...])
    epred_ref[0, 0, :] = epred[0]
    xe_ref[0] = xe1 + eemb



def _vp_args(p):
    C = p['c1b'].shape[0]
    return (
        p['c1w'].transpose(2, 0, 1), p['c1b'].reshape(1, C),
        p['g1'].reshape(1, C), p['b1'].reshape(1, C),
        p['c2w'].transpose(2, 0, 1), p['c2b'].reshape(1, C),
        p['g2'].reshape(1, C), p['b2'].reshape(1, C),
        p['lw'].reshape(1, C),
    )


def kernel(x, dur_trg, pitch_trg, energy_trg, src_mask, max_dur,
           dp, pp, ep, pitch_bins, energy_bins, pitch_table, energy_table):
    B, S, D = x.shape
    T = pitch_trg.shape[1]
    C = dp['c1b'].shape[0]
    NB = pitch_table.shape[0]
    G = 4

    durc = dur_trg.astype(_F32).reshape(B, S, 1)
    ptrg = pitch_trg.reshape(B, 1, T)
    binsf = pitch_bins.astype(_F32)
    hib = jnp.concatenate([binsf, jnp.full((1,), 1e30, _F32)]).reshape(1, NB)
    hib8 = jnp.broadcast_to(hib, (8, NB))
    binscol = jnp.broadcast_to(hib.reshape(NB, 1), (NB, 128))
    maxd_arr = jnp.full((8, 128), max_dur, _F32)
    tabs = jnp.concatenate([pitch_table, energy_table], axis=1)

    def full(a):
        return pl.BlockSpec(a.shape, lambda b: (0,) * a.ndim)

    row_spec = pl.BlockSpec((1, 1, T), lambda b: (b, 0, 0))

    ptrg_flat = pitch_trg.reshape(B // G, 1, G * T)
    pidx = pl.pallas_call(
        functools.partial(_bidx_kernel, NB),
        grid=(B // G,),
        in_specs=[pl.BlockSpec((1, 1, G * T), lambda b: (b, 0, 0)),
                  full(binscol)],
        out_specs=[pl.BlockSpec((1, 1, G * T), lambda b: (b, 0, 0))],
        out_shape=[jax.ShapeDtypeStruct((B // G, 1, G * T), jnp.int32)],
    )(ptrg_flat, binscol)[0]

    pemb, eemb = _sc_gather(pitch_table, energy_table, pidx.reshape(1, B * T))
    pemb = pemb.reshape(B, T, D)
    eemb = eemb.reshape(B, T, D)

    vp_all = _vp_args(dp) + _vp_args(pp) + _vp_args(ep)
    xe, ppred, epred, dpred, maskf = pl.pallas_call(
        functools.partial(_mega_kernel, S, T, D, C, NB),
        grid=(B,),
        in_specs=[pl.BlockSpec((1, S, D), lambda b: (b, 0, 0)),
                  pl.BlockSpec((1, S, 1), lambda b: (b, 0, 0)),
                  row_spec, full(hib8), full(maxd_arr)]
        + [full(a) for a in vp_all]
        + [full(tabs)],
        out_specs=[pl.BlockSpec((1, T, D), lambda b: (b, 0, 0)),
                   row_spec, row_spec,
                   pl.BlockSpec((1, 1, S), lambda b: (b, 0, 0)),
                   row_spec],
        out_shape=[jax.ShapeDtypeStruct((B, T, D), _F32),
                   jax.ShapeDtypeStruct((B, 1, T), _F32),
                   jax.ShapeDtypeStruct((B, 1, T), _F32),
                   jax.ShapeDtypeStruct((B, 1, S), _F32),
                   jax.ShapeDtypeStruct((B, 1, T), _F32)],
    )(x, durc, ptrg, hib8, maxd_arr, *vp_all, tabs)

    mel_mask = maskf.reshape(B, T) > 0.5
    validf = 1.0 - maskf.reshape(B, T)
    log_dur_pred = jnp.where(src_mask, 0.0, dpred.reshape(B, S) + dp['lb'])
    pitch_pred = (ppred.reshape(B, T) + pp['lb']) * validf
    energy_pred = (epred.reshape(B, T) + ep['lb']) * validf
    return (xe, mel_mask, log_dur_pred, dur_trg,
            pitch_pred, pemb, energy_pred, eemb)

# --- scband reference (transcript-rebuilt; emitter-appended) ---
"""Pipeline reference for scband-variance-adaptor-72009421685050 (READ-ONLY COPY).

The authoritative reference and input builder live on the scoring server;
editing this copy changes nothing except your own understanding.
"""

import jax, jax.numpy as jnp
import numpy as np

B, S, T, D, C, K, NBINS = 16, 512, 2048, 256, 256, 3, 256


def _ln(h, g, b):
    m = jnp.mean(h, axis=-1, keepdims=True)
    v = jnp.var(h, axis=-1, keepdims=True)
    return (h - m) / jnp.sqrt(v + 1e-5) * g + b


def _conv1d(x, w, b):
    h = jax.lax.conv_general_dilated(x.transpose(0, 2, 1), w, (1,), 'SAME',
                                     dimension_numbers=('NCH', 'OIH', 'NCH'))
    return (h + b[None, :, None]).transpose(0, 2, 1)


def _vp(x, mask, p):
    # VariancePredictor: conv-relu-LN-(dropout eval=identity) x2, then linear->scalar, masked fill 0
    h = _ln(jax.nn.relu(_conv1d(x, p['c1w'], p['c1b'])), p['g1'], p['b1'])
    h = _ln(jax.nn.relu(_conv1d(h, p['c2w'], p['c2b'])), p['g2'], p['b2'])
    out = h @ p['lw'] + p['lb']
    return jnp.where(mask, 0.0, out)


def setup_inputs(seed: int = 0):
    key = jax.random.key(seed)
    ks = jax.random.split(key, 20)

    def vp_params(i):
        kk = jax.random.split(ks[i], 3)
        return {
            'c1w': jax.random.normal(kk[0], (C, D, K), dtype=jnp.float32) * 0.05,
            'c1b': jnp.zeros((C,), jnp.float32),
            'g1': jnp.ones((C,), jnp.float32), 'b1': jnp.zeros((C,), jnp.float32),
            'c2w': jax.random.normal(kk[1], (C, C, K), dtype=jnp.float32) * 0.05,
            'c2b': jnp.zeros((C,), jnp.float32),
            'g2': jnp.ones((C,), jnp.float32), 'b2': jnp.zeros((C,), jnp.float32),
            'lw': jax.random.normal(kk[2], (C,), dtype=jnp.float32) * 0.05,
            'lb': jnp.zeros((), jnp.float32),
        }

    return {
        'x': jax.random.normal(ks[10], (B, S, D), dtype=jnp.float32),
        'dur_trg': jax.random.randint(ks[11], (B, S), 0, 8),
        'pitch_trg': jax.random.normal(ks[12], (B, T), dtype=jnp.float32),
        'energy_trg': jax.random.normal(ks[13], (B, T), dtype=jnp.float32),
        'src_mask': jnp.zeros((B, S), dtype=bool),
        'max_dur': T,
        'dp': vp_params(0),
        'pp': vp_params(1),
        'ep': vp_params(2),
        'pitch_bins': jnp.linspace(-4.0, 4.0, NBINS - 1),
        'energy_bins': jnp.linspace(-4.0, 4.0, NBINS - 1),
        'pitch_table': jax.random.normal(ks[14], (NBINS, D), dtype=jnp.float32),
        'energy_table': jax.random.normal(ks[15], (NBINS, D), dtype=jnp.float32),
    }


def reference(x, dur_trg, pitch_trg, energy_trg, src_mask, max_dur,
              dp, pp, ep, pitch_bins, energy_bins, pitch_table, energy_table):
    # duration predictor on phoneme-level x
    log_dur_pred = _vp(x, src_mask, dp)
    # predicted rounded durations (computed, then overwritten by dur_trg as in original code)
    _ = jnp.maximum(jnp.round(jnp.exp(log_dur_pred) - 1.0) * 1.0, 0.0)
    dur_rounded = dur_trg

    # length regulator: expand x by target durations via cumsum + searchsorted gather
    mel_lens = jnp.sum(dur_trg, axis=1)
    cum = jnp.cumsum(dur_trg, axis=1)
    pos = jnp.arange(pitch_trg.shape[1])
    idx = jax.vmap(lambda c: jnp.searchsorted(c, pos, side='right'))(cum)
    valid = (pos[None, :] < mel_lens[:, None]) & (pos[None, :] < max_dur)
    idx = jnp.clip(idx, 0, x.shape[1] - 1)
    xe = jnp.take_along_axis(x, idx[:, :, None], axis=1) * valid[:, :, None].astype(x.dtype)
    mel_mask = ~valid  # True = padded frame (get_mask_from_lengths)

    # pitch
    pitch_pred = _vp(xe, mel_mask, pp) * 1.0
    pitch_idx = jnp.searchsorted(pitch_bins, pitch_trg, side='left')  # torch.bucketize(right=False)
    pitch_emb = jnp.take(pitch_table, pitch_idx, axis=0)
    xe = xe + pitch_emb

    # energy (original code bug kept: uses pitch_trg + pitch_bins for energy embedding)
    energy_pred = _vp(xe, mel_mask, ep) * 1.0
    energy_idx = jnp.searchsorted(pitch_bins, pitch_trg, side='left')
    energy_emb = jnp.take(energy_table, energy_idx, axis=0)
    xe = xe + energy_emb

    return (xe, mel_mask, log_dur_pred, dur_rounded, pitch_pred, pitch_emb, energy_pred, energy_emb)

if __name__ == "__main__":
    import jax
    _d = setup_inputs()
    print(jax.jit(kernel)(*tuple(_d.values())))

</pallas_src>

<mosaic_0001>
#map = affine_map<(d0, d1) -> (0, 0)>
module attributes {stable_mosaic.version = 14 : i64} {
  func.func @sckern(%arg0: i32, %arg1: i32, %arg2: memref<256x256xf32, #tpu.memory_space<hbm>>, %arg3: memref<256x256xf32, #tpu.memory_space<hbm>>, %arg4: memref<1x32768xi32, #tpu.memory_space<hbm>>, %arg5: memref<32768x256xf32, #tpu.memory_space<hbm>>, %arg6: memref<32768x256xf32, #tpu.memory_space<hbm>>) attributes {dimension_semantics = [#tpu.dimension_semantics<core_parallel>, #tpu.dimension_semantics<subcore_parallel>], iteration_bounds = array<i64: 2, 16>, scalar_prefetch = 0 : i64, scratch_operands = 0 : i64, tpu.core_type = #tpu.core_type<sc_vector_subcore>, window_params = [{transform_indices = #map}, {transform_indices = #map}, {transform_indices = #map}, {transform_indices = #map}, {transform_indices = #map}]} {
    %mul3A = arith.constant 1 : i32
    %mul3A_0 = arith.muli %arg1, %mul3A : i32
    %add3A = arith.constant 0 : i32
    %add3A_1 = arith.addi %add3A, %mul3A_0 : i32
    %mul3A_2 = arith.constant 16 : i32
    %mul3A_3 = arith.muli %arg0, %mul3A_2 : i32
    %add3A_4 = arith.addi %add3A_1, %mul3A_3 : i32
    %mul3A_5 = arith.constant 8 : i32
    %mul3A_6 = arith.muli %add3A_4, %mul3A_5 : i32
    "tpu.region"() ({
      %run_scoped3A = memref.alloca() : memref<2x1x128xi32, #tpu.memory_space<vmem>>
      %run_scoped3A_16 = tpu.sem_alloc : memref<2x!tpu.dma_semaphore, #tpu.memory_space<semaphore_mem>>
      %run_scoped3A_17 = memref.alloca() : memref<2x128x256xf32, #tpu.memory_space<vmem>>
      %run_scoped3A_18 = tpu.sem_alloc : memref<2x!tpu.dma_semaphore, #tpu.memory_space<semaphore_mem>>
      %add3A_19 = arith.constant 0 : i32
      %add3A_20 = arith.addi %add3A_19, %mul3A_6 : i32
      %select_n3A = arith.constant true
      %select_n3A_21 = arith.constant 0 : i32
      %select_n3A_22 = arith.constant -1 : i32
      %select_n3A_23 = arith.select %select_n3A, %select_n3A_22, %select_n3A_21 : i32
      %eq3A = arith.constant -1 : i32
      %eq3A_24 = arith.cmpi eq, %select_n3A_23, %eq3A : i32
      %select_n3A_25 = arith.constant 7 : i32
      %select_n3A_26 = arith.select %eq3A_24, %select_n3A_25, %select_n3A_23 : i32
      %add3A_27 = arith.addi %select_n3A_26, %mul3A_6 : i32
      %select_n3A_28 = arith.constant true
      %select_n3A_29 = arith.constant 0 : i32
      %select_n3A_30 = arith.constant 1 : i32
      %select_n3A_31 = arith.select %select_n3A_28, %select_n3A_30, %select_n3A_29 : i32
      %eq3A_32 = arith.constant 8 : i32
      %eq3A_33 = arith.cmpi eq, %select_n3A_31, %eq3A_32 : i32
      %select_n3A_34 = arith.constant 0 : i32
      %select_n3A_35 = arith.select %eq3A_33, %select_n3A_34, %select_n3A_31 : i32
      %add3A_36 = arith.addi %select_n3A_35, %mul3A_6 : i32
      %add3A_37 = arith.constant 1 : i32
      %add3A_38 = arith.addi %select_n3A_35, %add3A_37 : i32
      %select_n3A_39 = arith.constant true
      %select_n3A_40 = arith.select %select_n3A_39, %add3A_38, %select_n3A_35 : i32
      %eq3A_41 = arith.constant 8 : i32
      %eq3A_42 = arith.cmpi eq, %select_n3A_40, %eq3A_41 : i32
      %select_n3A_43 = arith.constant 0 : i32
      %select_n3A_44 = arith.select %eq3A_42, %select_n3A_43, %select_n3A_40 : i32
      %add3A_45 = arith.addi %select_n3A_44, %mul3A_6 : i32
      "tpu.trace_start"() <{level = 10 : i32, message = "ep_initialize_0"}> : () -> ()
      %rem3A = arith.constant 0 : i32
      %rem3A_46 = arith.constant 2 : i32
      %rem3A_47 = arith.remui %rem3A, %rem3A_46 : i32
      %mul3A_48 = arith.constant 128 : i32
      %mul3A_49 = arith.muli %mul3A_48, %add3A_20 : i32
      %dma_start3A = arith.constant 0 : i32
      %dma_start3A_50 = arith.constant 0 : i32
      %dma_start3A_51 = tpu.memref_slice %run_scoped3A[%rem3A_47, %dma_start3A, %dma_start3A_50] : memref<2x1x128xi32, #tpu.memory_space<vmem>> -> memref<1x1x128xi32, #tpu.memory_space<vmem>>
      %dma_start3A_52 = tpu.memref_squeeze %dma_start3A_51 : memref<1x1x128xi32, #tpu.memory_space<vmem>> -> memref<1x128xi32, #tpu.memory_space<vmem>>
      %dma_start3A_53 = arith.constant 0 : i32
      %dma_start3A_54 = tpu.memref_slice %arg4[%dma_start3A_53, %mul3A_49] : memref<1x32768xi32, #tpu.memory_space<hbm>> -> memref<1x128xi32, #tpu.memory_space<hbm>>
      %dma_start3A_55 = tpu.memref_slice %run_scoped3A_16[%rem3A_47] : memref<2x!tpu.dma_semaphore, #tpu.memory_space<semaphore_mem>> -> memref<1x!tpu.dma_semaphore, #tpu.memory_space<semaphore_mem>>
      %dma_start3A_56 = tpu.memref_squeeze %dma_start3A_55 : memref<1x!tpu.dma_semaphore, #tpu.memory_space<semaphore_mem>> -> memref<!tpu.dma_semaphore, #tpu.memory_space<semaphore_mem>>
      %dma_start3A_57 = arith.constant 0 : i32
      %dma_start3A_58 = arith.constant 0 : i32
      %dma_start3A_59 = tpu.memref_slice %run_scoped3A[%rem3A_47, %dma_start3A_57, %dma_start3A_58] : memref<2x1x128xi32, #tpu.memory_space<vmem>> -> memref<1x1x128xi32, #tpu.memory_space<vmem>>
      %dma_start3A_60 = tpu.memref_squeeze %dma_start3A_59 : memref<1x1x128xi32, #tpu.memory_space<vmem>> -> memref<1x128xi32, #tpu.memory_space<vmem>>
      %dma_start3A_61 = arith.constant 0 : i32
      %dma_start3A_62 = tpu.memref_slice %arg4[%dma_start3A_61, %mul3A_49] : memref<1x32768xi32, #tpu.memory_space<hbm>> -> memref<1x128xi32, #tpu.memory_space<hbm>>
      tpu.enqueue_dma source(%dma_start3A_62 : memref<1x128xi32, #tpu.memory_space<hbm>>) target(%dma_start3A_60 : memref<1x128xi32, #tpu.memory_space<vmem>>) target_semaphore(%dma_start3A_56 : memref<!tpu.dma_semaphore, #tpu.memory_space<semaphore_mem>>)
      %add3A_63 = arith.constant 0 : i32
      %add3A_64 = arith.constant 1 : i32
      %add3A_65 = arith.addi %add3A_63, %add3A_64 : i32
      %select_n3A_66 = arith.constant true
      %select_n3A_67 = arith.constant 0 : i32
      %select_n3A_68 = arith.select %select_n3A_66, %add3A_65, %select_n3A_67 : i32
      "tpu.trace_stop"() : () -> ()
      %scan3A = arith.constant 0 : i32
      %scan3A_69 = arith.constant 0 : i32
      %scan3A_70 = arith.constant 0 : i32
      %scan3A_71 = arith.constant 0 : i32
      %scan3A_72 = arith.constant 0 : i32
      %scan3A_73 = arith.constant 8 : i32
      %scan3A_74 = arith.addi %scan3A_72, %scan3A_73 : i32
      %scan3A_75 = arith.constant 1 : i32
      %scan3A_76:5 = scf.for %scan3A_130 = %scan3A_72 to %scan3A_74 step %scan3A_75 iter_args(%scan3A_131 = %select_n3A_68, %scan3A_132 = %scan3A, %scan3A_133 = %scan3A_69, %scan3A_134 = %scan3A_70, %scan3A_135 = %scan3A_71) -> (i32, i32, i32, i32, i32)  : i32 {
        %eq3A_136 = arith.constant 0 : i32
        %eq3A_137 = arith.cmpi eq, %scan3A_130, %eq3A_136 : i32
        %eq3A_138 = arith.constant 7 : i32
        %eq3A_139 = arith.cmpi eq, %scan3A_130, %eq3A_138 : i32
        %add3A_140 = arith.addi %scan3A_135, %mul3A_6 : i32
        %sub3A_141 = arith.constant 1 : i32
        %sub3A_142 = arith.subi %scan3A_135, %sub3A_141 : i32
        %select_n3A_143 = arith.constant true
        %select_n3A_144 = arith.select %select_n3A_143, %sub3A_142, %scan3A_135 : i32
        %eq3A_145 = arith.constant -1 : i32
        %eq3A_146 = arith.cmpi eq, %select_n3A_144, %eq3A_145 : i32
        %select_n3A_147 = arith.constant 7 : i32
        %select_n3A_148 = arith.select %eq3A_146, %select_n3A_147, %select_n3A_144 : i32
        %add3A_149 = arith.addi %select_n3A_148, %mul3A_6 : i32
        %add3A_150 = arith.constant 1 : i32
        %add3A_151 = arith.addi %scan3A_135, %add3A_150 : i32
        %select_n3A_152 = arith.constant true
        %select_n3A_153 = arith.select %select_n3A_152, %add3A_151, %scan3A_135 : i32
        %eq3A_154 = arith.constant 8 : i32
        %eq3A_155 = arith.cmpi eq, %select_n3A_153, %eq3A_154 : i32
        %select_n3A_156 = arith.constant 0 : i32
        %select_n3A_157 = arith.select %eq3A_155, %select_n3A_156, %select_n3A_153 : i32
        %add3A_158 = arith.addi %select_n3A_157, %mul3A_6 : i32
        %add3A_159 = arith.constant 1 : i32
        %add3A_160 = arith.addi %select_n3A_157, %add3A_159 : i32
        %select_n3A_161 = arith.constant true
        %select_n3A_162 = arith.select %select_n3A_161, %add3A_160, %select_n3A_157 : i32
        %eq3A_163 = arith.constant 8 : i32
        %eq3A_164 = arith.cmpi eq, %select_n3A_162, %eq3A_163 : i32
        %select_n3A_165 = arith.constant 0 : i32
        %select_n3A_166 = arith.select %eq3A_164, %select_n3A_165, %select_n3A_162 : i32
        %add3A_167 = arith.addi %select_n3A_166, %mul3A_6 : i32
        %ne3A = arith.cmpi ne, %add3A_140, %add3A_158 : i32
        %or3A = arith.constant false
        %or3A_168 = arith.ori %or3A, %ne3A : i1
        %ge3A = arith.constant 7 : i32
        %ge3A_169 = arith.cmpi sge, %scan3A_130, %ge3A : i32
        %not3A = arith.constant true
        %not3A_170 = arith.xori %ge3A_169, %not3A : i1
        %and3A = arith.andi %or3A_168, %not3A_170 : i1
        %convert_element_type3A = arith.extui %and3A : i1 to i32
        %cond3A = arith.constant 0 : i32
        %cond3A_171 = arith.cmpi ne, %convert_element_type3A, %cond3A : i32
        scf.if %cond3A_171 {
          "tpu.trace_start"() <{level = 10 : i32, message = "ep_copy_in"}> : () -> ()
          %rem3A_273 = arith.constant 2 : i32
          %rem3A_274 = arith.remui %scan3A_131, %rem3A_273 : i32
          %mul3A_275 = arith.constant 128 : i32
          %mul3A_276 = arith.muli %mul3A_275, %add3A_158 : i32
          %dma_start3A_277 = arith.constant 0 : i32
          %dma_start3A_278 = arith.constant 0 : i32
          %dma_start3A_279 = tpu.memref_slice %run_scoped3A[%rem3A_274, %dma_start3A_277, %dma_start3A_278] : memref<2x1x128xi32, #tpu.memory_space<vmem>> -> memref<1x1x128xi32, #tpu.memory_space<vmem>>
          %dma_start3A_280 = tpu.memref_squeeze %dma_start3A_279 : memref<1x1x128xi32, #tpu.memory_space<vmem>> -> memref<1x128xi32, #tpu.memory_space<vmem>>
          %dma_start3A_281 = arith.constant 0 : i32
          %dma_start3A_282 = tpu.memref_slice %arg4[%dma_start3A_281, %mul3A_276] : memref<1x32768xi32, #tpu.memory_space<hbm>> -> memref<1x128xi32, #tpu.memory_space<hbm>>
          %dma_start3A_283 = tpu.memref_slice %run_scoped3A_16[%rem3A_274] : memref<2x!tpu.dma_semaphore, #tpu.memory_space<semaphore_mem>> -> memref<1x!tpu.dma_semaphore, #tpu.memory_space<semaphore_mem>>
          %dma_start3A_284 = tpu.memref_squeeze %dma_start3A_283 : memref<1x!tpu.dma_semaphore, #tpu.memory_space<semaphore_mem>> -> memref<!tpu.dma_semaphore, #tpu.memory_space<semaphore_mem>>
          %dma_start3A_285 = arith.constant 0 : i32
          %dma_start3A_286 = arith.constant 0 : i32
          %dma_start3A_287 = tpu.memref_slice %run_scoped3A[%rem3A_274, %dma_start3A_285, %dma_start3A_286] : memref<2x1x128xi32, #tpu.memory_space<vmem>> -> memref<1x1x128xi32, #tpu.memory_space<vmem>>
          %dma_start3A_288 = tpu.memref_squeeze %dma_start3A_287 : memref<1x1x128xi32, #tpu.memory_space<vmem>> -> memref<1x128xi32, #tpu.memory_space<vmem>>
          %dma_start3A_289 = arith.constant 0 : i32
          %dma_start3A_290 = tpu.memref_slice %arg4[%dma_start3A_289, %mul3A_276] : memref<1x32768xi32, #tpu.memory_space<hbm>> -> memref<1x128xi32, #tpu.memory_space<hbm>>
          tpu.enqueue_dma source(%dma_start3A_290 : memref<1x128xi32, #tpu.memory_space<hbm>>) target(%dma_start3A_288 : memref<1x128xi32, #tpu.memory_space<vmem>>) target_semaphore(%dma_start3A_284 : memref<!tpu.dma_semaphore, #tpu.memory_space<semaphore_mem>>)
          "tpu.trace_stop"() : () -> ()
        } else {
        }
        %and3A_172 = arith.constant true
        %and3A_173 = arith.andi %and3A, %and3A_172 : i1
        %add3A_174 = arith.constant 1 : i32
        %add3A_175 = arith.addi %scan3A_131, %add3A_174 : i32
        %select_n3A_176 = arith.select %and3A_173, %add3A_175, %scan3A_131 : i32
        %ne3A_177 = arith.cmpi ne, %add3A_140, %add3A_158 : i32
        %or3A_178 = arith.constant false
        %or3A_179 = arith.ori %or3A_178, %ne3A_177 : i1
        %or3A_180 = arith.constant false
        %or3A_181 = arith.ori %or3A_179, %or3A_180 : i1
        %ge3A_182 = arith.constant 7 : i32
        %ge3A_183 = arith.cmpi sge, %scan3A_130, %ge3A_182 : i32
        %not3A_184 = arith.constant true
        %not3A_185 = arith.xori %ge3A_183, %not3A_184 : i1
        %and3A_186 = arith.andi %or3A_181, %not3A_185 : i1
        %ne3A_187 = arith.cmpi ne, %add3A_140, %add3A_149 : i32
        %or3A_188 = arith.constant false
        %or3A_189 = arith.ori %or3A_188, %ne3A_187 : i1
        %or3A_190 = arith.ori %or3A_189, %eq3A_137 : i1
        %convert_element_type3A_191 = arith.extui %or3A_190 : i1 to i32
        %cond3A_192 = arith.constant 0 : i32
        %cond3A_193 = arith.cmpi ne, %convert_element_type3A_191, %cond3A_192 : i32
        scf.if %cond3A_193 {
          "tpu.trace_start"() <{level = 10 : i32, message = "ep_wait_in"}> : () -> ()
          %mul3A_273 = arith.constant 128 : i32
          %mul3A_274 = arith.muli %mul3A_273, %add3A_140 : i32
          %rem3A_275 = arith.constant 2 : i32
          %rem3A_276 = arith.remui %scan3A_132, %rem3A_275 : i32
          %dma_wait3A_277 = arith.constant 0 : i32
          %dma_wait3A_278 = arith.constant 0 : i32
          %dma_wait3A_279 = tpu.memref_slice %run_scoped3A[%rem3A_276, %dma_wait3A_277, %dma_wait3A_278] : memref<2x1x128xi32, #tpu.memory_space<vmem>> -> memref<1x1x128xi32, #tpu.memory_space<vmem>>
          %dma_wait3A_280 = tpu.memref_squeeze %dma_wait3A_279 : memref<1x1x128xi32, #tpu.memory_space<vmem>> -> memref<1x128xi32, #tpu.memory_space<vmem>>
          %dma_wait3A_281 = arith.constant 0 : i32
          %dma_wait3A_282 = tpu.memref_slice %arg4[%dma_wait3A_281, %mul3A_274] : memref<1x32768xi32, #tpu.memory_space<hbm>> -> memref<1x128xi32, #tpu.memory_space<hbm>>
          %dma_wait3A_283 = tpu.memref_slice %run_scoped3A_16[%rem3A_276] : memref<2x!tpu.dma_semaphore, #tpu.memory_space<semaphore_mem>> -> memref<1x!tpu.dma_semaphore, #tpu.memory_space<semaphore_mem>>
          %dma_wait3A_284 = tpu.memref_squeeze %dma_wait3A_283 : memref<1x!tpu.dma_semaphore, #tpu.memory_space<semaphore_mem>> -> memref<!tpu.dma_semaphore, #tpu.memory_space<semaphore_mem>>
          %dma_wait3A_285 = arith.constant 0 : i32
          %dma_wait3A_286 = arith.constant 0 : i32
          %dma_wait3A_287 = tpu.memref_slice %run_scoped3A[%rem3A_276, %dma_wait3A_285, %dma_wait3A_286] : memref<2x1x128xi32, #tpu.memory_space<vmem>> -> memref<1x1x128xi32, #tpu.memory_space<vmem>>
          %dma_wait3A_288 = tpu.memref_squeeze %dma_wait3A_287 : memref<1x1x128xi32, #tpu.memory_space<vmem>> -> memref<1x128xi32, #tpu.memory_space<vmem>>
          %dma_wait3A_289 = arith.constant 0 : i32
          %dma_wait3A_290 = tpu.memref_slice %arg4[%dma_wait3A_289, %mul3A_274] : memref<1x32768xi32, #tpu.memory_space<hbm>> -> memref<1x128xi32, #tpu.memory_space<hbm>>
          tpu.wait_dma2 semaphore(%dma_wait3A_284 : memref<!tpu.dma_semaphore, #tpu.memory_space<semaphore_mem>>) src(%dma_wait3A_290 : memref<1x128xi32, #tpu.memory_space<hbm>>) dst(%dma_wait3A_288 : memref<1x128xi32, #tpu.memory_space<vmem>>)
          "tpu.trace_stop"() : () -> ()
        } else {
        }
        %ne3A_194 = arith.cmpi ne, %add3A_140, %add3A_149 : i32
        %or3A_195 = arith.constant false
        %or3A_196 = arith.ori %or3A_195, %ne3A_194 : i1
        %or3A_197 = arith.constant false
        %or3A_198 = arith.ori %or3A_196, %or3A_197 : i1
        %or3A_199 = arith.ori %or3A_198, %eq3A_137 : i1
        %convert_element_type3A_200 = arith.extui %or3A_199 : i1 to i32
        %cond3A_201 = arith.constant 0 : i32
        %cond3A_202 = arith.cmpi ne, %convert_element_type3A_200, %cond3A_201 : i32
        scf.if %cond3A_202 {
        } else {
        }
        %rem3A_203 = arith.constant 2 : i32
        %rem3A_204 = arith.remui %scan3A_132, %rem3A_203 : i32
        %rem3A_205 = arith.constant 2 : i32
        %rem3A_206 = arith.remui %scan3A_133, %rem3A_205 : i32
        %run_scoped3A_207 = arith.constant 0 : i32
        "tpu.trace_start"() <{level = 10 : i32, message = "ep_run_kernel"}> : () -> ()
        "tpu.region"() ({
          %run_scoped3A_273 = tpu.sem_alloc : memref<!tpu.dma_semaphore, #tpu.memory_space<semaphore_mem>>
          %dma_start3A_274 = arith.constant 0 : i32
          %dma_start3A_275 = arith.constant 0 : i32
          %dma_start3A_276 = tpu.memref_slice %run_scoped3A_17[%rem3A_206, %dma_start3A_274, %dma_start3A_275] : memref<2x128x256xf32, #tpu.memory_space<vmem>> -> memref<1x128x256xf32, #tpu.memory_space<vmem>>
          %dma_start3A_277 = tpu.memref_squeeze %dma_start3A_276 : memref<1x128x256xf32, #tpu.memory_space<vmem>> -> memref<128x256xf32, #tpu.memory_space<vmem>>
          %dma_start3A_278 = arith.constant 0 : i32
          %dma_start3A_279 = arith.constant 0 : i32
          %dma_start3A_280 = tpu.memref_slice %run_scoped3A[%rem3A_204, %dma_start3A_278, %dma_start3A_279] : memref<2x1x128xi32, #tpu.memory_space<vmem>> -> memref<1x1x128xi32, #tpu.memory_space<vmem>>
          %dma_start3A_281 = tpu.memref_squeeze %dma_start3A_280 : memref<1x1x128xi32, #tpu.memory_space<vmem>> -> memref<1x128xi32, #tpu.memory_space<vmem>>
          %dma_start3A_282 = arith.constant 0 : i32
          %dma_start3A_283 = tpu.memref_slice %dma_start3A_281[%run_scoped3A_207, %dma_start3A_282] : memref<1x128xi32, #tpu.memory_space<vmem>> -> memref<1x128xi32, #tpu.memory_space<vmem>>
          %dma_start3A_284 = tpu.memref_squeeze %dma_start3A_283 : memref<1x128xi32, #tpu.memory_space<vmem>> -> memref<128xi32, #tpu.memory_space<vmem>>
          %dma_start3A_285 = arith.constant 0 : i32
          %dma_start3A_286 = arith.constant 0 : i32
          %dma_start3A_287 = tpu.memref_slice %arg2[%dma_start3A_285, %dma_start3A_286] : memref<256x256xf32, #tpu.memory_space<hbm>> -> memref<256x256xf32, #tpu.memory_space<hbm>>
          tpu.enqueue_indirect_dma source(%dma_start3A_287 : memref<256x256xf32, #tpu.memory_space<hbm>>) target(%dma_start3A_277 : memref<128x256xf32, #tpu.memory_space<vmem>>) offsets(%dma_start3A_284 : memref<128xi32, #tpu.memory_space<vmem>>) semaphore(%run_scoped3A_273 : memref<!tpu.dma_semaphore, #tpu.memory_space<semaphore_mem>>)
          %dma_wait3A_288 = arith.constant 0 : i32
          %dma_wait3A_289 = arith.constant 0 : i32
          %dma_wait3A_290 = tpu.memref_slice %run_scoped3A_17[%rem3A_206, %dma_wait3A_288, %dma_wait3A_289] : memref<2x128x256xf32, #tpu.memory_space<vmem>> -> memref<1x128x256xf32, #tpu.memory_space<vmem>>
          %dma_wait3A_291 = tpu.memref_squeeze %dma_wait3A_290 : memref<1x128x256xf32, #tpu.memory_space<vmem>> -> memref<128x256xf32, #tpu.memory_space<vmem>>
          %dma_wait3A_292 = arith.constant 0 : i32
          %dma_wait3A_293 = arith.constant 0 : i32
          %dma_wait3A_294 = tpu.memref_slice %run_scoped3A[%rem3A_204, %dma_wait3A_292, %dma_wait3A_293] : memref<2x1x128xi32, #tpu.memory_space<vmem>> -> memref<1x1x128xi32, #tpu.memory_space<vmem>>
          %dma_wait3A_295 = tpu.memref_squeeze %dma_wait3A_294 : memref<1x1x128xi32, #tpu.memory_space<vmem>> -> memref<1x128xi32, #tpu.memory_space<vmem>>
          %dma_wait3A_296 = arith.constant 0 : i32
          %dma_wait3A_297 = tpu.memref_slice %dma_wait3A_295[%run_scoped3A_207, %dma_wait3A_296] : memref<1x128xi32, #tpu.memory_space<vmem>> -> memref<1x128xi32, #tpu.memory_space<vmem>>
          %dma_wait3A_298 = tpu.memref_squeeze %dma_wait3A_297 : memref<1x128xi32, #tpu.memory_space<vmem>> -> memref<128xi32, #tpu.memory_space<vmem>>
          %dma_wait3A_299 = arith.constant 0 : i32
          %dma_wait3A_300 = arith.constant 0 : i32
          %dma_wait3A_301 = tpu.memref_slice %arg2[%dma_wait3A_299, %dma_wait3A_300] : memref<256x256xf32, #tpu.memory_space<hbm>> -> memref<256x256xf32, #tpu.memory_space<hbm>>
          tpu.wait_indirect_dma semaphore(%run_scoped3A_273 : memref<!tpu.dma_semaphore, #tpu.memory_space<semaphore_mem>>) src(%dma_wait3A_301 : memref<256x256xf32, #tpu.memory_space<hbm>>) dst(%dma_wait3A_291 : memref<128x256xf32, #tpu.memory_space<vmem>>)
          tpu.yield
        }) : () -> ()
        "tpu.trace_stop"() : () -> ()
        %ne3A_208 = arith.cmpi ne, %add3A_140, %add3A_158 : i32
        %or3A_209 = arith.constant false
        %or3A_210 = arith.ori %or3A_209, %ne3A_208 : i1
        %or3A_211 = arith.ori %or3A_210, %eq3A_139 : i1
        %convert_element_type3A_212 = arith.extui %or3A_211 : i1 to i32
        %cond3A_213 = arith.constant 0 : i32
        %cond3A_214 = arith.cmpi ne, %convert_element_type3A_212, %cond3A_213 : i32
        scf.if %cond3A_214 {
        } else {
        }
        %and3A_215 = arith.constant false
        %and3A_216 = arith.andi %or3A_211, %and3A_215 : i1
        %ne3A_217 = arith.cmpi ne, %add3A_140, %add3A_158 : i32
        %or3A_218 = arith.constant false
        %or3A_219 = arith.ori %or3A_218, %ne3A_217 : i1
        %or3A_220 = arith.constant false
        %or3A_221 = arith.ori %or3A_219, %or3A_220 : i1
        %or3A_222 = arith.ori %or3A_221, %eq3A_139 : i1
        %convert_element_type3A_223 = arith.extui %or3A_222 : i1 to i32
        %cond3A_224 = arith.constant 0 : i32
        %cond3A_225 = arith.cmpi ne, %convert_element_type3A_223, %cond3A_224 : i32
        scf.if %cond3A_225 {
          "tpu.trace_start"() <{level = 10 : i32, message = "ep_copy_out"}> : () -> ()
          %rem3A_273 = arith.constant 2 : i32
          %rem3A_274 = arith.remui %scan3A_133, %rem3A_273 : i32
          %mul3A_275 = arith.constant 128 : i32
          %mul3A_276 = arith.muli %mul3A_275, %add3A_140 : i32
          %dma_start3A_277 = arith.constant 0 : i32
          %dma_start3A_278 = arith.constant 0 : i32
          %dma_start3A_279 = tpu.memref_slice %run_scoped3A_17[%rem3A_274, %dma_start3A_277, %dma_start3A_278] : memref<2x128x256xf32, #tpu.memory_space<vmem>> -> memref<1x128x256xf32, #tpu.memory_space<vmem>>
          %dma_start3A_280 = tpu.memref_squeeze %dma_start3A_279 : memref<1x128x256xf32, #tpu.memory_space<vmem>> -> memref<128x256xf32, #tpu.memory_space<vmem>>
          %dma_start3A_281 = arith.constant 0 : i32
          %dma_start3A_282 = tpu.memref_slice %arg5[%mul3A_276, %dma_start3A_281] : memref<32768x256xf32, #tpu.memory_space<hbm>> -> memref<128x256xf32, #tpu.memory_space<hbm>>
          %dma_start3A_283 = tpu.memref_slice %run_scoped3A_18[%rem3A_274] : memref<2x!tpu.dma_semaphore, #tpu.memory_space<semaphore_mem>> -> memref<1x!tpu.dma_semaphore, #tpu.memory_space<semaphore_mem>>
          %dma_start3A_284 = tpu.memref_squeeze %dma_start3A_283 : memref<1x!tpu.dma_semaphore, #tpu.memory_space<semaphore_mem>> -> memref<!tpu.dma_semaphore, #tpu.memory_space<semaphore_mem>>
          %dma_start3A_285 = arith.constant 0 : i32
          %dma_start3A_286 = tpu.memref_slice %arg5[%mul3A_276, %dma_start3A_285] : memref<32768x256xf32, #tpu.memory_space<hbm>> -> memref<128x256xf32, #tpu.memory_space<hbm>>
          %dma_start3A_287 = arith.constant 0 : i32
          %dma_start3A_288 = arith.constant 0 : i32
          %dma_start3A_289 = tpu.memref_slice %run_scoped3A_17[%rem3A_274, %dma_start3A_287, %dma_start3A_288] : memref<2x128x256xf32, #tpu.memory_space<vmem>> -> memref<1x128x256xf32, #tpu.memory_space<vmem>>
          %dma_start3A_290 = tpu.memref_squeeze %dma_start3A_289 : memref<1x128x256xf32, #tpu.memory_space<vmem>> -> memref<128x256xf32, #tpu.memory_space<vmem>>
          tpu.enqueue_dma source(%dma_start3A_290 : memref<128x256xf32, #tpu.memory_space<vmem>>) target(%dma_start3A_286 : memref<128x256xf32, #tpu.memory_space<hbm>>) target_semaphore(%dma_start3A_284 : memref<!tpu.dma_semaphore, #tpu.memory_space<semaphore_mem>>)
          "tpu.trace_stop"() : () -> ()
        } else {
        }
        %and3A_226 = arith.constant true
        %and3A_227 = arith.andi %or3A_222, %and3A_226 : i1
        %add3A_228 = arith.constant 1 : i32
        %add3A_229 = arith.addi %scan3A_133, %add3A_228 : i32
        %select_n3A_230 = arith.select %and3A_227, %add3A_229, %scan3A_133 : i32
        %ne3A_231 = arith.cmpi ne, %add3A_140, %add3A_149 : i32
        %or3A_232 = arith.constant false
        %or3A_233 = arith.ori %or3A_232, %ne3A_231 : i1
        %not3A_234 = arith.constant true
        %not3A_235 = arith.xori %eq3A_137, %not3A_234 : i1
        %and3A_236 = arith.andi %or3A_233, %not3A_235 : i1
        %convert_element_type3A_237 = arith.extui %and3A_236 : i1 to i32
        %cond3A_238 = arith.constant 0 : i32
        %cond3A_239 = arith.cmpi ne, %convert_element_type3A_237, %cond3A_238 : i32
        scf.if %cond3A_239 {
        } else {
        }
        %and3A_240 = arith.constant false
        %and3A_241 = arith.andi %and3A_236, %and3A_240 : i1
        %ne3A_242 = arith.cmpi ne, %add3A_140, %add3A_149 : i32
        %or3A_243 = arith.constant false
        %or3A_244 = arith.ori %or3A_243, %ne3A_242 : i1
        %or3A_245 = arith.constant false
        %or3A_246 = arith.ori %or3A_244, %or3A_245 : i1
        %not3A_247 = arith.constant true
        %not3A_248 = arith.xori %eq3A_137, %not3A_247 : i1
        %and3A_249 = arith.andi %or3A_246, %not3A_248 : i1
        %convert_element_type3A_250 = arith.extui %and3A_249 : i1 to i32
        %cond3A_251 = arith.constant 0 : i32
        %cond3A_252 = arith.cmpi ne, %convert_element_type3A_250, %cond3A_251 : i32
        scf.if %cond3A_252 {
          "tpu.trace_start"() <{level = 10 : i32, message = "ep_wait_out"}> : () -> ()
          %rem3A_273 = arith.constant 2 : i32
          %rem3A_274 = arith.remui %scan3A_134, %rem3A_273 : i32
          %mul3A_275 = arith.constant 128 : i32
          %mul3A_276 = arith.muli %mul3A_275, %add3A_149 : i32
          %dma_wait3A_277 = arith.constant 0 : i32
          %dma_wait3A_278 = arith.constant 0 : i32
          %dma_wait3A_279 = tpu.memref_slice %run_scoped3A_17[%rem3A_274, %dma_wait3A_277, %dma_wait3A_278] : memref<2x128x256xf32, #tpu.memory_space<vmem>> -> memref<1x128x256xf32, #tpu.memory_space<vmem>>
          %dma_wait3A_280 = tpu.memref_squeeze %dma_wait3A_279 : memref<1x128x256xf32, #tpu.memory_space<vmem>> -> memref<128x256xf32, #tpu.memory_space<vmem>>
          %dma_wait3A_281 = arith.constant 0 : i32
          %dma_wait3A_282 = tpu.memref_slice %arg5[%mul3A_276, %dma_wait3A_281] : memref<32768x256xf32, #tpu.memory_space<hbm>> -> memref<128x256xf32, #tpu.memory_space<hbm>>
          %dma_wait3A_283 = tpu.memref_slice %run_scoped3A_18[%rem3A_274] : memref<2x!tpu.dma_semaphore, #tpu.memory_space<semaphore_mem>> -> memref<1x!tpu.dma_semaphore, #tpu.memory_space<semaphore_mem>>
          %dma_wait3A_284 = tpu.memref_squeeze %dma_wait3A_283 : memref<1x!tpu.dma_semaphore, #tpu.memory_space<semaphore_mem>> -> memref<!tpu.dma_semaphore, #tpu.memory_space<semaphore_mem>>
          %dma_wait3A_285 = arith.constant 0 : i32
          %dma_wait3A_286 = tpu.memref_slice %arg5[%mul3A_276, %dma_wait3A_285] : memref<32768x256xf32, #tpu.memory_space<hbm>> -> memref<128x256xf32, #tpu.memory_space<hbm>>
          %dma_wait3A_287 = arith.constant 0 : i32
          %dma_wait3A_288 = arith.constant 0 : i32
          %dma_wait3A_289 = tpu.memref_slice %run_scoped3A_17[%rem3A_274, %dma_wait3A_287, %dma_wait3A_288] : memref<2x128x256xf32, #tpu.memory_space<vmem>> -> memref<1x128x256xf32, #tpu.memory_space<vmem>>
          %dma_wait3A_290 = tpu.memref_squeeze %dma_wait3A_289 : memref<1x128x256xf32, #tpu.memory_space<vmem>> -> memref<128x256xf32, #tpu.memory_space<vmem>>
          tpu.wait_dma2 semaphore(%dma_wait3A_284 : memref<!tpu.dma_semaphore, #tpu.memory_space<semaphore_mem>>) src(%dma_wait3A_290 : memref<128x256xf32, #tpu.memory_space<vmem>>) dst(%dma_wait3A_286 : memref<128x256xf32, #tpu.memory_space<hbm>>)
          "tpu.trace_stop"() : () -> ()
        } else {
        }
        %and3A_253 = arith.constant true
        %and3A_254 = arith.andi %and3A_249, %and3A_253 : i1
        %add3A_255 = arith.constant 1 : i32
        %add3A_256 = arith.addi %scan3A_134, %add3A_255 : i32
        %select_n3A_257 = arith.select %and3A_254, %add3A_256, %scan3A_134 : i32
        %ne3A_258 = arith.cmpi ne, %add3A_140, %add3A_158 : i32
        %or3A_259 = arith.constant false
        %or3A_260 = arith.ori %or3A_259, %ne3A_258 : i1
        %or3A_261 = arith.ori %or3A_260, %eq3A_139 : i1
        %add3A_262 = arith.constant 1 : i32
        %add3A_263 = arith.addi %scan3A_132, %add3A_262 : i32
        %select_n3A_264 = arith.select %or3A_261, %add3A_263, %scan3A_132 : i32
        %add3A_265 = arith.constant 1 : i32
        %add3A_266 = arith.addi %scan3A_135, %add3A_265 : i32
        %select_n3A_267 = arith.constant true
        %select_n3A_268 = arith.select %select_n3A_267, %add3A_266, %scan3A_135 : i32
        %eq3A_269 = arith.constant 8 : i32
        %eq3A_270 = arith.cmpi eq, %select_n3A_268, %eq3A_269 : i32
        %select_n3A_271 = arith.constant 0 : i32
        %select_n3A_272 = arith.select %eq3A_270, %select_n3A_271, %select_n3A_268 : i32
        scf.yield %select_n3A_176, %select_n3A_264, %select_n3A_230, %select_n3A_257, %select_n3A_272 : i32, i32, i32, i32, i32
      }
      %scan3A_77 = arith.constant 8 : i32
      %sub3A = arith.constant 1 : i32
      %sub3A_78 = arith.subi %scan3A_76#4, %sub3A : i32
      %select_n3A_79 = arith.constant true
      %select_n3A_80 = arith.select %select_n3A_79, %sub3A_78, %scan3A_76#4 : i32
      %eq3A_81 = arith.constant -1 : i32
      %eq3A_82 = arith.cmpi eq, %select_n3A_80, %eq3A_81 : i32
      %select_n3A_83 = arith.constant 7 : i32
      %select_n3A_84 = arith.select %eq3A_82, %select_n3A_83, %select_n3A_80 : i32
      %add3A_85 = arith.addi %select_n3A_84, %mul3A_6 : i32
      %sub3A_86 = arith.constant 1 : i32
      %sub3A_87 = arith.subi %select_n3A_84, %sub3A_86 : i32
      %select_n3A_88 = arith.constant true
      %select_n3A_89 = arith.select %select_n3A_88, %sub3A_87, %select_n3A_84 : i32
      %eq3A_90 = arith.constant -1 : i32
      %eq3A_91 = arith.cmpi eq, %select_n3A_89, %eq3A_90 : i32
      %select_n3A_92 = arith.constant 7 : i32
      %select_n3A_93 = arith.select %eq3A_91, %select_n3A_92, %select_n3A_89 : i32
      %add3A_94 = arith.addi %select_n3A_93, %mul3A_6 : i32
      %add3A_95 = arith.constant 1 : i32
      %add3A_96 = arith.addi %select_n3A_84, %add3A_95 : i32
      %select_n3A_97 = arith.constant true
      %select_n3A_98 = arith.select %select_n3A_97, %add3A_96, %select_n3A_84 : i32
      %eq3A_99 = arith.constant 8 : i32
      %eq3A_100 = arith.cmpi eq, %select_n3A_98, %eq3A_99 : i32
      %select_n3A_101 = arith.constant 0 : i32
      %select_n3A_102 = arith.select %eq3A_100, %select_n3A_101, %select_n3A_98 : i32
      %add3A_103 = arith.addi %select_n3A_102, %mul3A_6 : i32
      %add3A_104 = arith.constant 1 : i32
      %add3A_105 = arith.addi %select_n3A_102, %add3A_104 : i32
      %select_n3A_106 = arith.constant true
      %select_n3A_107 = arith.select %select_n3A_106, %add3A_105, %select_n3A_102 : i32
      %eq3A_108 = arith.constant 8 : i32
      %eq3A_109 = arith.cmpi eq, %select_n3A_107, %eq3A_108 : i32
      %select_n3A_110 = arith.constant 0 : i32
      %select_n3A_111 = arith.select %eq3A_109, %select_n3A_110, %select_n3A_107 : i32
      %add3A_112 = arith.addi %select_n3A_111, %mul3A_6 : i32
      "tpu.trace_start"() <{level = 10 : i32, message = "ep_finalize"}> : () -> ()
      %rem3A_113 = arith.constant 2 : i32
      %rem3A_114 = arith.remui %scan3A_76#3, %rem3A_113 : i32
      %mul3A_115 = arith.constant 128 : i32
      %mul3A_116 = arith.muli %mul3A_115, %add3A_85 : i32
      %dma_wait3A = arith.constant 0 : i32
      %dma_wait3A_117 = arith.constant 0 : i32
      %dma_wait3A_118 = tpu.memref_slice %run_scoped3A_17[%rem3A_114, %dma_wait3A, %dma_wait3A_117] : memref<2x128x256xf32, #tpu.memory_space<vmem>> -> memref<1x128x256xf32, #tpu.memory_space<vmem>>
      %dma_wait3A_119 = tpu.memref_squeeze %dma_wait3A_118 : memref<1x128x256xf32, #tpu.memory_space<vmem>> -> memref<128x256xf32, #tpu.memory_space<vmem>>
      %dma_wait3A_120 = arith.constant 0 : i32
      %dma_wait3A_121 = tpu.memref_slice %arg5[%mul3A_116, %dma_wait3A_120] : memref<32768x256xf32, #tpu.memory_space<hbm>> -> memref<128x256xf32, #tpu.memory_space<hbm>>
      %dma_wait3A_122 = tpu.memref_slice %run_scoped3A_18[%rem3A_114] : memref<2x!tpu.dma_semaphore, #tpu.memory_space<semaphore_mem>> -> memref<1x!tpu.dma_semaphore, #tpu.memory_space<semaphore_mem>>
      %dma_wait3A_123 = tpu.memref_squeeze %dma_wait3A_122 : memref<1x!tpu.dma_semaphore, #tpu.memory_space<semaphore_mem>> -> memref<!tpu.dma_semaphore, #tpu.memory_space<semaphore_mem>>
      %dma_wait3A_124 = arith.constant 0 : i32
      %dma_wait3A_125 = tpu.memref_slice %arg5[%mul3A_116, %dma_wait3A_124] : memref<32768x256xf32, #tpu.memory_space<hbm>> -> memref<128x256xf32, #tpu.memory_space<hbm>>
      %dma_wait3A_126 = arith.constant 0 : i32
      %dma_wait3A_127 = arith.constant 0 : i32
      %dma_wait3A_128 = tpu.memref_slice %run_scoped3A_17[%rem3A_114, %dma_wait3A_126, %dma_wait3A_127] : memref<2x128x256xf32, #tpu.memory_space<vmem>> -> memref<1x128x256xf32, #tpu.memory_space<vmem>>
      %dma_wait3A_129 = tpu.memref_squeeze %dma_wait3A_128 : memref<1x128x256xf32, #tpu.memory_space<vmem>> -> memref<128x256xf32, #tpu.memory_space<vmem>>
      tpu.wait_dma2 semaphore(%dma_wait3A_123 : memref<!tpu.dma_semaphore, #tpu.memory_space<semaphore_mem>>) src(%dma_wait3A_129 : memref<128x256xf32, #tpu.memory_space<vmem>>) dst(%dma_wait3A_125 : memref<128x256xf32, #tpu.memory_space<hbm>>)
      "tpu.trace_stop"() : () -> ()
      tpu.yield
    }) : () -> ()
    %mul3A_7 = arith.constant 1 : i32
    %mul3A_8 = arith.muli %arg1, %mul3A_7 : i32
    %add3A_9 = arith.constant 0 : i32
    %add3A_10 = arith.addi %add3A_9, %mul3A_8 : i32
    %mul3A_11 = arith.constant 16 : i32
    %mul3A_12 = arith.muli %arg0, %mul3A_11 : i32
    %add3A_13 = arith.addi %add3A_10, %mul3A_12 : i32
    %mul3A_14 = arith.constant 8 : i32
    %mul3A_15 = arith.muli %add3A_13, %mul3A_14 : i32
    "tpu.region"() ({
      %run_scoped3A = memref.alloca() : memref<2x1x128xi32, #tpu.memory_space<vmem>>
      %run_scoped3A_16 = tpu.sem_alloc : memref<2x!tpu.dma_semaphore, #tpu.memory_space<semaphore_mem>>
      %run_scoped3A_17 = memref.alloca() : memref<2x128x256xf32, #tpu.memory_space<vmem>>
      %run_scoped3A_18 = tpu.sem_alloc : memref<2x!tpu.dma_semaphore, #tpu.memory_space<semaphore_mem>>
      %add3A_19 = arith.constant 0 : i32
      %add3A_20 = arith.addi %add3A_19, %mul3A_15 : i32
      %select_n3A = arith.constant true
      %select_n3A_21 = arith.constant 0 : i32
      %select_n3A_22 = arith.constant -1 : i32
      %select_n3A_23 = arith.select %select_n3A, %select_n3A_22, %select_n3A_21 : i32
      %eq3A = arith.constant -1 : i32
      %eq3A_24 = arith.cmpi eq, %select_n3A_23, %eq3A : i32
      %select_n3A_25 = arith.constant 7 : i32
      %select_n3A_26 = arith.select %eq3A_24, %select_n3A_25, %select_n3A_23 : i32
      %add3A_27 = arith.addi %select_n3A_26, %mul3A_15 : i32
      %select_n3A_28 = arith.constant true
      %select_n3A_29 = arith.constant 0 : i32
      %select_n3A_30 = arith.constant 1 : i32
      %select_n3A_31 = arith.select %select_n3A_28, %select_n3A_30, %select_n3A_29 : i32
      %eq3A_32 = arith.constant 8 : i32
      %eq3A_33 = arith.cmpi eq, %select_n3A_31, %eq3A_32 : i32
      %select_n3A_34 = arith.constant 0 : i32
      %select_n3A_35 = arith.select %eq3A_33, %select_n3A_34, %select_n3A_31 : i32
      %add3A_36 = arith.addi %select_n3A_35, %mul3A_15 : i32
      %add3A_37 = arith.constant 1 : i32
      %add3A_38 = arith.addi %select_n3A_35, %add3A_37 : i32
      %select_n3A_39 = arith.constant true
      %select_n3A_40 = arith.select %select_n3A_39, %add3A_38, %select_n3A_35 : i32
      %eq3A_41 = arith.constant 8 : i32
      %eq3A_42 = arith.cmpi eq, %select_n3A_40, %eq3A_41 : i32
      %select_n3A_43 = arith.constant 0 : i32
      %select_n3A_44 = arith.select %eq3A_42, %select_n3A_43, %select_n3A_40 : i32
      %add3A_45 = arith.addi %select_n3A_44, %mul3A_15 : i32
      "tpu.trace_start"() <{level = 10 : i32, message = "ep_initialize_0"}> : () -> ()
      %rem3A = arith.constant 0 : i32
      %rem3A_46 = arith.constant 2 : i32
      %rem3A_47 = arith.remui %rem3A, %rem3A_46 : i32
      %mul3A_48 = arith.constant 128 : i32
      %mul3A_49 = arith.muli %mul3A_48, %add3A_20 : i32
      %dma_start3A = arith.constant 0 : i32
      %dma_start3A_50 = arith.constant 0 : i32
      %dma_start3A_51 = tpu.memref_slice %run_scoped3A[%rem3A_47, %dma_start3A, %dma_start3A_50] : memref<2x1x128xi32, #tpu.memory_space<vmem>> -> memref<1x1x128xi32, #tpu.memory_space<vmem>>
      %dma_start3A_52 = tpu.memref_squeeze %dma_start3A_51 : memref<1x1x128xi32, #tpu.memory_space<vmem>> -> memref<1x128xi32, #tpu.memory_space<vmem>>
      %dma_start3A_53 = arith.constant 0 : i32
      %dma_start3A_54 = tpu.memref_slice %arg4[%dma_start3A_53, %mul3A_49] : memref<1x32768xi32, #tpu.memory_space<hbm>> -> memref<1x128xi32, #tpu.memory_space<hbm>>
      %dma_start3A_55 = tpu.memref_slice %run_scoped3A_16[%rem3A_47] : memref<2x!tpu.dma_semaphore, #tpu.memory_space<semaphore_mem>> -> memref<1x!tpu.dma_semaphore, #tpu.memory_space<semaphore_mem>>
      %dma_start3A_56 = tpu.memref_squeeze %dma_start3A_55 : memref<1x!tpu.dma_semaphore, #tpu.memory_space<semaphore_mem>> -> memref<!tpu.dma_semaphore, #tpu.memory_space<semaphore_mem>>
      %dma_start3A_57 = arith.constant 0 : i32
      %dma_start3A_58 = arith.constant 0 : i32
      %dma_start3A_59 = tpu.memref_slice %run_scoped3A[%rem3A_47, %dma_start3A_57, %dma_start3A_58] : memref<2x1x128xi32, #tpu.memory_space<vmem>> -> memref<1x1x128xi32, #tpu.memory_space<vmem>>
      %dma_start3A_60 = tpu.memref_squeeze %dma_start3A_59 : memref<1x1x128xi32, #tpu.memory_space<vmem>> -> memref<1x128xi32, #tpu.memory_space<vmem>>
      %dma_start3A_61 = arith.constant 0 : i32
      %dma_start3A_62 = tpu.memref_slice %arg4[%dma_start3A_61, %mul3A_49] : memref<1x32768xi32, #tpu.memory_space<hbm>> -> memref<1x128xi32, #tpu.memory_space<hbm>>
      tpu.enqueue_dma source(%dma_start3A_62 : memref<1x128xi32, #tpu.memory_space<hbm>>) target(%dma_start3A_60 : memref<1x128xi32, #tpu.memory_space<vmem>>) target_semaphore(%dma_start3A_56 : memref<!tpu.dma_semaphore, #tpu.memory_space<semaphore_mem>>)
      %add3A_63 = arith.constant 0 : i32
      %add3A_64 = arith.constant 1 : i32
      %add3A_65 = arith.addi %add3A_63, %add3A_64 : i32
      %select_n3A_66 = arith.constant true
      %select_n3A_67 = arith.constant 0 : i32
      %select_n3A_68 = arith.select %select_n3A_66, %add3A_65, %select_n3A_67 : i32
      "tpu.trace_stop"() : () -> ()
      %scan3A = arith.constant 0 : i32
      %scan3A_69 = arith.constant 0 : i32
      %scan3A_70 = arith.constant 0 : i32
      %scan3A_71 = arith.constant 0 : i32
      %scan3A_72 = arith.constant 0 : i32
      %scan3A_73 = arith.constant 8 : i32
      %scan3A_74 = arith.addi %scan3A_72, %scan3A_73 : i32
      %scan3A_75 = arith.constant 1 : i32
      %scan3A_76:5 = scf.for %scan3A_130 = %scan3A_72 to %scan3A_74 step %scan3A_75 iter_args(%scan3A_131 = %select_n3A_68, %scan3A_132 = %scan3A, %scan3A_133 = %scan3A_69, %scan3A_134 = %scan3A_70, %scan3A_135 = %scan3A_71) -> (i32, i32, i32, i32, i32)  : i32 {
        %eq3A_136 = arith.constant 0 : i32
        %eq3A_137 = arith.cmpi eq, %scan3A_130, %eq3A_136 : i32
        %eq3A_138 = arith.constant 7 : i32
        %eq3A_139 = arith.cmpi eq, %scan3A_130, %eq3A_138 : i32
        %add3A_140 = arith.addi %scan3A_135, %mul3A_15 : i32
        %sub3A_141 = arith.constant 1 : i32
        %sub3A_142 = arith.subi %scan3A_135, %sub3A_141 : i32
        %select_n3A_143 = arith.constant true
        %select_n3A_144 = arith.select %select_n3A_143, %sub3A_142, %scan3A_135 : i32
        %eq3A_145 = arith.constant -1 : i32
        %eq3A_146 = arith.cmpi eq, %select_n3A_144, %eq3A_145 : i32
        %select_n3A_147 = arith.constant 7 : i32
        %select_n3A_148 = arith.select %eq3A_146, %select_n3A_147, %select_n3A_144 : i32
        %add3A_149 = arith.addi %select_n3A_148, %mul3A_15 : i32
        %add3A_150 = arith.constant 1 : i32
        %add3A_151 = arith.addi %scan3A_135, %add3A_150 : i32
        %select_n3A_152 = arith.constant true
        %select_n3A_153 = arith.select %select_n3A_152, %add3A_151, %scan3A_135 : i32
        %eq3A_154 = arith.constant 8 : i32
        %eq3A_155 = arith.cmpi eq, %select_n3A_153, %eq3A_154 : i32
        %select_n3A_156 = arith.constant 0 : i32
        %select_n3A_157 = arith.select %eq3A_155, %select_n3A_156, %select_n3A_153 : i32
        %add3A_158 = arith.addi %select_n3A_157, %mul3A_15 : i32
        %add3A_159 = arith.constant 1 : i32
        %add3A_160 = arith.addi %select_n3A_157, %add3A_159 : i32
        %select_n3A_161 = arith.constant true
        %select_n3A_162 = arith.select %select_n3A_161, %add3A_160, %select_n3A_157 : i32
        %eq3A_163 = arith.constant 8 : i32
        %eq3A_164 = arith.cmpi eq, %select_n3A_162, %eq3A_163 : i32
        %select_n3A_165 = arith.constant 0 : i32
        %select_n3A_166 = arith.select %eq3A_164, %select_n3A_165, %select_n3A_162 : i32
        %add3A_167 = arith.addi %select_n3A_166, %mul3A_15 : i32
        %ne3A = arith.cmpi ne, %add3A_140, %add3A_158 : i32
        %or3A = arith.constant false
        %or3A_168 = arith.ori %or3A, %ne3A : i1
        %ge3A = arith.constant 7 : i32
        %ge3A_169 = arith.cmpi sge, %scan3A_130, %ge3A : i32
        %not3A = arith.constant true
        %not3A_170 = arith.xori %ge3A_169, %not3A : i1
        %and3A = arith.andi %or3A_168, %not3A_170 : i1
        %convert_element_type3A = arith.extui %and3A : i1 to i32
        %cond3A = arith.constant 0 : i32
        %cond3A_171 = arith.cmpi ne, %convert_element_type3A, %cond3A : i32
        scf.if %cond3A_171 {
          "tpu.trace_start"() <{level = 10 : i32, message = "ep_copy_in"}> : () -> ()
          %rem3A_273 = arith.constant 2 : i32
          %rem3A_274 = arith.remui %scan3A_131, %rem3A_273 : i32
          %mul3A_275 = arith.constant 128 : i32
          %mul3A_276 = arith.muli %mul3A_275, %add3A_158 : i32
          %dma_start3A_277 = arith.constant 0 : i32
          %dma_start3A_278 = arith.constant 0 : i32
          %dma_start3A_279 = tpu.memref_slice %run_scoped3A[%rem3A_274, %dma_start3A_277, %dma_start3A_278] : memref<2x1x128xi32, #tpu.memory_space<vmem>> -> memref<1x1x128xi32, #tpu.memory_space<vmem>>
          %dma_start3A_280 = tpu.memref_squeeze %dma_start3A_279 : memref<1x1x128xi32, #tpu.memory_space<vmem>> -> memref<1x128xi32, #tpu.memory_space<vmem>>
          %dma_start3A_281 = arith.constant 0 : i32
          %dma_start3A_282 = tpu.memref_slice %arg4[%dma_start3A_281, %mul3A_276] : memref<1x32768xi32, #tpu.memory_space<hbm>> -> memref<1x128xi32, #tpu.memory_space<hbm>>
          %dma_start3A_283 = tpu.memref_slice %run_scoped3A_16[%rem3A_274] : memref<2x!tpu.dma_semaphore, #tpu.memory_space<semaphore_mem>> -> memref<1x!tpu.dma_semaphore, #tpu.memory_space<semaphore_mem>>
          %dma_start3A_284 = tpu.memref_squeeze %dma_start3A_283 : memref<1x!tpu.dma_semaphore, #tpu.memory_space<semaphore_mem>> -> memref<!tpu.dma_semaphore, #tpu.memory_space<semaphore_mem>>
          %dma_start3A_285 = arith.constant 0 : i32
          %dma_start3A_286 = arith.constant 0 : i32
          %dma_start3A_287 = tpu.memref_slice %run_scoped3A[%rem3A_274, %dma_start3A_285, %dma_start3A_286] : memref<2x1x128xi32, #tpu.memory_space<vmem>> -> memref<1x1x128xi32, #tpu.memory_space<vmem>>
          %dma_start3A_288 = tpu.memref_squeeze %dma_start3A_287 : memref<1x1x128xi32, #tpu.memory_space<vmem>> -> memref<1x128xi32, #tpu.memory_space<vmem>>
          %dma_start3A_289 = arith.constant 0 : i32
          %dma_start3A_290 = tpu.memref_slice %arg4[%dma_start3A_289, %mul3A_276] : memref<1x32768xi32, #tpu.memory_space<hbm>> -> memref<1x128xi32, #tpu.memory_space<hbm>>
          tpu.enqueue_dma source(%dma_start3A_290 : memref<1x128xi32, #tpu.memory_space<hbm>>) target(%dma_start3A_288 : memref<1x128xi32, #tpu.memory_space<vmem>>) target_semaphore(%dma_start3A_284 : memref<!tpu.dma_semaphore, #tpu.memory_space<semaphore_mem>>)
          "tpu.trace_stop"() : () -> ()
        } else {
        }
        %and3A_172 = arith.constant true
        %and3A_173 = arith.andi %and3A, %and3A_172 : i1
        %add3A_174 = arith.constant 1 : i32
        %add3A_175 = arith.addi %scan3A_131, %add3A_174 : i32
        %select_n3A_176 = arith.select %and3A_173, %add3A_175, %scan3A_131 : i32
        %ne3A_177 = arith.cmpi ne, %add3A_140, %add3A_158 : i32
        %or3A_178 = arith.constant false
        %or3A_179 = arith.ori %or3A_178, %ne3A_177 : i1
        %or3A_180 = arith.constant false
        %or3A_181 = arith.ori %or3A_179, %or3A_180 : i1
        %ge3A_182 = arith.constant 7 : i32
        %ge3A_183 = arith.cmpi sge, %scan3A_130, %ge3A_182 : i32
        %not3A_184 = arith.constant true
        %not3A_185 = arith.xori %ge3A_183, %not3A_184 : i1
        %and3A_186 = arith.andi %or3A_181, %not3A_185 : i1
        %ne3A_187 = arith.cmpi ne, %add3A_140, %add3A_149 : i32
        %or3A_188 = arith.constant false
        %or3A_189 = arith.ori %or3A_188, %ne3A_187 : i1
        %or3A_190 = arith.ori %or3A_189, %eq3A_137 : i1
        %convert_element_type3A_191 = arith.extui %or3A_190 : i1 to i32
        %cond3A_192 = arith.constant 0 : i32
        %cond3A_193 = arith.cmpi ne, %convert_element_type3A_191, %cond3A_192 : i32
        scf.if %cond3A_193 {
          "tpu.trace_start"() <{level = 10 : i32, message = "ep_wait_in"}> : () -> ()
          %mul3A_273 = arith.constant 128 : i32
          %mul3A_274 = arith.muli %mul3A_273, %add3A_140 : i32
          %rem3A_275 = arith.constant 2 : i32
          %rem3A_276 = arith.remui %scan3A_132, %rem3A_275 : i32
          %dma_wait3A_277 = arith.constant 0 : i32
          %dma_wait3A_278 = arith.constant 0 : i32
          %dma_wait3A_279 = tpu.memref_slice %run_scoped3A[%rem3A_276, %dma_wait3A_277, %dma_wait3A_278] : memref<2x1x128xi32, #tpu.memory_space<vmem>> -> memref<1x1x128xi32, #tpu.memory_space<vmem>>
          %dma_wait3A_280 = tpu.memref_squeeze %dma_wait3A_279 : memref<1x1x128xi32, #tpu.memory_space<vmem>> -> memref<1x128xi32, #tpu.memory_space<vmem>>
          %dma_wait3A_281 = arith.constant 0 : i32
          %dma_wait3A_282 = tpu.memref_slice %arg4[%dma_wait3A_281, %mul3A_274] : memref<1x32768xi32, #tpu.memory_space<hbm>> -> memref<1x128xi32, #tpu.memory_space<hbm>>
          %dma_wait3A_283 = tpu.memref_slice %run_scoped3A_16[%rem3A_276] : memref<2x!tpu.dma_semaphore, #tpu.memory_space<semaphore_mem>> -> memref<1x!tpu.dma_semaphore, #tpu.memory_space<semaphore_mem>>
          %dma_wait3A_284 = tpu.memref_squeeze %dma_wait3A_283 : memref<1x!tpu.dma_semaphore, #tpu.memory_space<semaphore_mem>> -> memref<!tpu.dma_semaphore, #tpu.memory_space<semaphore_mem>>
          %dma_wait3A_285 = arith.constant 0 : i32
          %dma_wait3A_286 = arith.constant 0 : i32
          %dma_wait3A_287 = tpu.memref_slice %run_scoped3A[%rem3A_276, %dma_wait3A_285, %dma_wait3A_286] : memref<2x1x128xi32, #tpu.memory_space<vmem>> -> memref<1x1x128xi32, #tpu.memory_space<vmem>>
          %dma_wait3A_288 = tpu.memref_squeeze %dma_wait3A_287 : memref<1x1x128xi32, #tpu.memory_space<vmem>> -> memref<1x128xi32, #tpu.memory_space<vmem>>
          %dma_wait3A_289 = arith.constant 0 : i32
          %dma_wait3A_290 = tpu.memref_slice %arg4[%dma_wait3A_289, %mul3A_274] : memref<1x32768xi32, #tpu.memory_space<hbm>> -> memref<1x128xi32, #tpu.memory_space<hbm>>
          tpu.wait_dma2 semaphore(%dma_wait3A_284 : memref<!tpu.dma_semaphore, #tpu.memory_space<semaphore_mem>>) src(%dma_wait3A_290 : memref<1x128xi32, #tpu.memory_space<hbm>>) dst(%dma_wait3A_288 : memref<1x128xi32, #tpu.memory_space<vmem>>)
          "tpu.trace_stop"() : () -> ()
        } else {
        }
        %ne3A_194 = arith.cmpi ne, %add3A_140, %add3A_149 : i32
        %or3A_195 = arith.constant false
        %or3A_196 = arith.ori %or3A_195, %ne3A_194 : i1
        %or3A_197 = arith.constant false
        %or3A_198 = arith.ori %or3A_196, %or3A_197 : i1
        %or3A_199 = arith.ori %or3A_198, %eq3A_137 : i1
        %convert_element_type3A_200 = arith.extui %or3A_199 : i1 to i32
        %cond3A_201 = arith.constant 0 : i32
        %cond3A_202 = arith.cmpi ne, %convert_element_type3A_200, %cond3A_201 : i32
        scf.if %cond3A_202 {
        } else {
        }
        %rem3A_203 = arith.constant 2 : i32
        %rem3A_204 = arith.remui %scan3A_132, %rem3A_203 : i32
        %rem3A_205 = arith.constant 2 : i32
        %rem3A_206 = arith.remui %scan3A_133, %rem3A_205 : i32
        %run_scoped3A_207 = arith.constant 0 : i32
        "tpu.trace_start"() <{level = 10 : i32, message = "ep_run_kernel"}> : () -> ()
        "tpu.region"() ({
          %run_scoped3A_273 = tpu.sem_alloc : memref<!tpu.dma_semaphore, #tpu.memory_space<semaphore_mem>>
          %dma_start3A_274 = arith.constant 0 : i32
          %dma_start3A_275 = arith.constant 0 : i32
          %dma_start3A_276 = tpu.memref_slice %run_scoped3A_17[%rem3A_206, %dma_start3A_274, %dma_start3A_275] : memref<2x128x256xf32, #tpu.memory_space<vmem>> -> memref<1x128x256xf32, #tpu.memory_space<vmem>>
          %dma_start3A_277 = tpu.memref_squeeze %dma_start3A_276 : memref<1x128x256xf32, #tpu.memory_space<vmem>> -> memref<128x256xf32, #tpu.memory_space<vmem>>
          %dma_start3A_278 = arith.constant 0 : i32
          %dma_start3A_279 = arith.constant 0 : i32
          %dma_start3A_280 = tpu.memref_slice %run_scoped3A[%rem3A_204, %dma_start3A_278, %dma_start3A_279] : memref<2x1x128xi32, #tpu.memory_space<vmem>> -> memref<1x1x128xi32, #tpu.memory_space<vmem>>
          %dma_start3A_281 = tpu.memref_squeeze %dma_start3A_280 : memref<1x1x128xi32, #tpu.memory_space<vmem>> -> memref<1x128xi32, #tpu.memory_space<vmem>>
          %dma_start3A_282 = arith.constant 0 : i32
          %dma_start3A_283 = tpu.memref_slice %dma_start3A_281[%run_scoped3A_207, %dma_start3A_282] : memref<1x128xi32, #tpu.memory_space<vmem>> -> memref<1x128xi32, #tpu.memory_space<vmem>>
          %dma_start3A_284 = tpu.memref_squeeze %dma_start3A_283 : memref<1x128xi32, #tpu.memory_space<vmem>> -> memref<128xi32, #tpu.memory_space<vmem>>
          %dma_start3A_285 = arith.constant 0 : i32
          %dma_start3A_286 = arith.constant 0 : i32
          %dma_start3A_287 = tpu.memref_slice %arg3[%dma_start3A_285, %dma_start3A_286] : memref<256x256xf32, #tpu.memory_space<hbm>> -> memref<256x256xf32, #tpu.memory_space<hbm>>
          tpu.enqueue_indirect_dma source(%dma_start3A_287 : memref<256x256xf32, #tpu.memory_space<hbm>>) target(%dma_start3A_277 : memref<128x256xf32, #tpu.memory_space<vmem>>) offsets(%dma_start3A_284 : memref<128xi32, #tpu.memory_space<vmem>>) semaphore(%run_scoped3A_273 : memref<!tpu.dma_semaphore, #tpu.memory_space<semaphore_mem>>)
          %dma_wait3A_288 = arith.constant 0 : i32
          %dma_wait3A_289 = arith.constant 0 : i32
          %dma_wait3A_290 = tpu.memref_slice %run_scoped3A_17[%rem3A_206, %dma_wait3A_288, %dma_wait3A_289] : memref<2x128x256xf32, #tpu.memory_space<vmem>> -> memref<1x128x256xf32, #tpu.memory_space<vmem>>
          %dma_wait3A_291 = tpu.memref_squeeze %dma_wait3A_290 : memref<1x128x256xf32, #tpu.memory_space<vmem>> -> memref<128x256xf32, #tpu.memory_space<vmem>>
          %dma_wait3A_292 = arith.constant 0 : i32
          %dma_wait3A_293 = arith.constant 0 : i32
          %dma_wait3A_294 = tpu.memref_slice %run_scoped3A[%rem3A_204, %dma_wait3A_292, %dma_wait3A_293] : memref<2x1x128xi32, #tpu.memory_space<vmem>> -> memref<1x1x128xi32, #tpu.memory_space<vmem>>
          %dma_wait3A_295 = tpu.memref_squeeze %dma_wait3A_294 : memref<1x1x128xi32, #tpu.memory_space<vmem>> -> memref<1x128xi32, #tpu.memory_space<vmem>>
          %dma_wait3A_296 = arith.constant 0 : i32
          %dma_wait3A_297 = tpu.memref_slice %dma_wait3A_295[%run_scoped3A_207, %dma_wait3A_296] : memref<1x128xi32, #tpu.memory_space<vmem>> -> memref<1x128xi32, #tpu.memory_space<vmem>>
          %dma_wait3A_298 = tpu.memref_squeeze %dma_wait3A_297 : memref<1x128xi32, #tpu.memory_space<vmem>> -> memref<128xi32, #tpu.memory_space<vmem>>
          %dma_wait3A_299 = arith.constant 0 : i32
          %dma_wait3A_300 = arith.constant 0 : i32
          %dma_wait3A_301 = tpu.memref_slice %arg3[%dma_wait3A_299, %dma_wait3A_300] : memref<256x256xf32, #tpu.memory_space<hbm>> -> memref<256x256xf32, #tpu.memory_space<hbm>>
          tpu.wait_indirect_dma semaphore(%run_scoped3A_273 : memref<!tpu.dma_semaphore, #tpu.memory_space<semaphore_mem>>) src(%dma_wait3A_301 : memref<256x256xf32, #tpu.memory_space<hbm>>) dst(%dma_wait3A_291 : memref<128x256xf32, #tpu.memory_space<vmem>>)
          tpu.yield
        }) : () -> ()
        "tpu.trace_stop"() : () -> ()
        %ne3A_208 = arith.cmpi ne, %add3A_140, %add3A_158 : i32
        %or3A_209 = arith.constant false
        %or3A_210 = arith.ori %or3A_209, %ne3A_208 : i1
        %or3A_211 = arith.ori %or3A_210, %eq3A_139 : i1
        %convert_element_type3A_212 = arith.extui %or3A_211 : i1 to i32
        %cond3A_213 = arith.constant 0 : i32
        %cond3A_214 = arith.cmpi ne, %convert_element_type3A_212, %cond3A_213 : i32
        scf.if %cond3A_214 {
        } else {
        }
        %and3A_215 = arith.constant false
        %and3A_216 = arith.andi %or3A_211, %and3A_215 : i1
        %ne3A_217 = arith.cmpi ne, %add3A_140, %add3A_158 : i32
        %or3A_218 = arith.constant false
        %or3A_219 = arith.ori %or3A_218, %ne3A_217 : i1
        %or3A_220 = arith.constant false
        %or3A_221 = arith.ori %or3A_219, %or3A_220 : i1
        %or3A_222 = arith.ori %or3A_221, %eq3A_139 : i1
        %convert_element_type3A_223 = arith.extui %or3A_222 : i1 to i32
        %cond3A_224 = arith.constant 0 : i32
        %cond3A_225 = arith.cmpi ne, %convert_element_type3A_223, %cond3A_224 : i32
        scf.if %cond3A_225 {
          "tpu.trace_start"() <{level = 10 : i32, message = "ep_copy_out"}> : () -> ()
          %rem3A_273 = arith.constant 2 : i32
          %rem3A_274 = arith.remui %scan3A_133, %rem3A_273 : i32
          %mul3A_275 = arith.constant 128 : i32
          %mul3A_276 = arith.muli %mul3A_275, %add3A_140 : i32
          %dma_start3A_277 = arith.constant 0 : i32
          %dma_start3A_278 = arith.constant 0 : i32
          %dma_start3A_279 = tpu.memref_slice %run_scoped3A_17[%rem3A_274, %dma_start3A_277, %dma_start3A_278] : memref<2x128x256xf32, #tpu.memory_space<vmem>> -> memref<1x128x256xf32, #tpu.memory_space<vmem>>
          %dma_start3A_280 = tpu.memref_squeeze %dma_start3A_279 : memref<1x128x256xf32, #tpu.memory_space<vmem>> -> memref<128x256xf32, #tpu.memory_space<vmem>>
          %dma_start3A_281 = arith.constant 0 : i32
          %dma_start3A_282 = tpu.memref_slice %arg6[%mul3A_276, %dma_start3A_281] : memref<32768x256xf32, #tpu.memory_space<hbm>> -> memref<128x256xf32, #tpu.memory_space<hbm>>
          %dma_start3A_283 = tpu.memref_slice %run_scoped3A_18[%rem3A_274] : memref<2x!tpu.dma_semaphore, #tpu.memory_space<semaphore_mem>> -> memref<1x!tpu.dma_semaphore, #tpu.memory_space<semaphore_mem>>
          %dma_start3A_284 = tpu.memref_squeeze %dma_start3A_283 : memref<1x!tpu.dma_semaphore, #tpu.memory_space<semaphore_mem>> -> memref<!tpu.dma_semaphore, #tpu.memory_space<semaphore_mem>>
          %dma_start3A_285 = arith.constant 0 : i32
          %dma_start3A_286 = tpu.memref_slice %arg6[%mul3A_276, %dma_start3A_285] : memref<32768x256xf32, #tpu.memory_space<hbm>> -> memref<128x256xf32, #tpu.memory_space<hbm>>
          %dma_start3A_287 = arith.constant 0 : i32
          %dma_start3A_288 = arith.constant 0 : i32
          %dma_start3A_289 = tpu.memref_slice %run_scoped3A_17[%rem3A_274, %dma_start3A_287, %dma_start3A_288] : memref<2x128x256xf32, #tpu.memory_space<vmem>> -> memref<1x128x256xf32, #tpu.memory_space<vmem>>
          %dma_start3A_290 = tpu.memref_squeeze %dma_start3A_289 : memref<1x128x256xf32, #tpu.memory_space<vmem>> -> memref<128x256xf32, #tpu.memory_space<vmem>>
          tpu.enqueue_dma source(%dma_start3A_290 : memref<128x256xf32, #tpu.memory_space<vmem>>) target(%dma_start3A_286 : memref<128x256xf32, #tpu.memory_space<hbm>>) target_semaphore(%dma_start3A_284 : memref<!tpu.dma_semaphore, #tpu.memory_space<semaphore_mem>>)
          "tpu.trace_stop"() : () -> ()
        } else {
        }
        %and3A_226 = arith.constant true
        %and3A_227 = arith.andi %or3A_222, %and3A_226 : i1
        %add3A_228 = arith.constant 1 : i32
        %add3A_229 = arith.addi %scan3A_133, %add3A_228 : i32
        %select_n3A_230 = arith.select %and3A_227, %add3A_229, %scan3A_133 : i32
        %ne3A_231 = arith.cmpi ne, %add3A_140, %add3A_149 : i32
        %or3A_232 = arith.constant false
        %or3A_233 = arith.ori %or3A_232, %ne3A_231 : i1
        %not3A_234 = arith.constant true
        %not3A_235 = arith.xori %eq3A_137, %not3A_234 : i1
        %and3A_236 = arith.andi %or3A_233, %not3A_235 : i1
        %convert_element_type3A_237 = arith.extui %and3A_236 : i1 to i32
        %cond3A_238 = arith.constant 0 : i32
        %cond3A_239 = arith.cmpi ne, %convert_element_type3A_237, %cond3A_238 : i32
        scf.if %cond3A_239 {
        } else {
        }
        %and3A_240 = arith.constant false
        %and3A_241 = arith.andi %and3A_236, %and3A_240 : i1
        %ne3A_242 = arith.cmpi ne, %add3A_140, %add3A_149 : i32
        %or3A_243 = arith.constant false
        %or3A_244 = arith.ori %or3A_243, %ne3A_242 : i1
        %or3A_245 = arith.constant false
        %or3A_246 = arith.ori %or3A_244, %or3A_245 : i1
        %not3A_247 = arith.constant true
        %not3A_248 = arith.xori %eq3A_137, %not3A_247 : i1
        %and3A_249 = arith.andi %or3A_246, %not3A_248 : i1
        %convert_element_type3A_250 = arith.extui %and3A_249 : i1 to i32
        %cond3A_251 = arith.constant 0 : i32
        %cond3A_252 = arith.cmpi ne, %convert_element_type3A_250, %cond3A_251 : i32
        scf.if %cond3A_252 {
          "tpu.trace_start"() <{level = 10 : i32, message = "ep_wait_out"}> : () -> ()
          %rem3A_273 = arith.constant 2 : i32
          %rem3A_274 = arith.remui %scan3A_134, %rem3A_273 : i32
          %mul3A_275 = arith.constant 128 : i32
          %mul3A_276 = arith.muli %mul3A_275, %add3A_149 : i32
          %dma_wait3A_277 = arith.constant 0 : i32
          %dma_wait3A_278 = arith.constant 0 : i32
          %dma_wait3A_279 = tpu.memref_slice %run_scoped3A_17[%rem3A_274, %dma_wait3A_277, %dma_wait3A_278] : memref<2x128x256xf32, #tpu.memory_space<vmem>> -> memref<1x128x256xf32, #tpu.memory_space<vmem>>
          %dma_wait3A_280 = tpu.memref_squeeze %dma_wait3A_279 : memref<1x128x256xf32, #tpu.memory_space<vmem>> -> memref<128x256xf32, #tpu.memory_space<vmem>>
          %dma_wait3A_281 = arith.constant 0 : i32
          %dma_wait3A_282 = tpu.memref_slice %arg6[%mul3A_276, %dma_wait3A_281] : memref<32768x256xf32, #tpu.memory_space<hbm>> -> memref<128x256xf32, #tpu.memory_space<hbm>>
          %dma_wait3A_283 = tpu.memref_slice %run_scoped3A_18[%rem3A_274] : memref<2x!tpu.dma_semaphore, #tpu.memory_space<semaphore_mem>> -> memref<1x!tpu.dma_semaphore, #tpu.memory_space<semaphore_mem>>
          %dma_wait3A_284 = tpu.memref_squeeze %dma_wait3A_283 : memref<1x!tpu.dma_semaphore, #tpu.memory_space<semaphore_mem>> -> memref<!tpu.dma_semaphore, #tpu.memory_space<semaphore_mem>>
          %dma_wait3A_285 = arith.constant 0 : i32
          %dma_wait3A_286 = tpu.memref_slice %arg6[%mul3A_276, %dma_wait3A_285] : memref<32768x256xf32, #tpu.memory_space<hbm>> -> memref<128x256xf32, #tpu.memory_space<hbm>>
          %dma_wait3A_287 = arith.constant 0 : i32
          %dma_wait3A_288 = arith.constant 0 : i32
          %dma_wait3A_289 = tpu.memref_slice %run_scoped3A_17[%rem3A_274, %dma_wait3A_287, %dma_wait3A_288] : memref<2x128x256xf32, #tpu.memory_space<vmem>> -> memref<1x128x256xf32, #tpu.memory_space<vmem>>
          %dma_wait3A_290 = tpu.memref_squeeze %dma_wait3A_289 : memref<1x128x256xf32, #tpu.memory_space<vmem>> -> memref<128x256xf32, #tpu.memory_space<vmem>>
          tpu.wait_dma2 semaphore(%dma_wait3A_284 : memref<!tpu.dma_semaphore, #tpu.memory_space<semaphore_mem>>) src(%dma_wait3A_290 : memref<128x256xf32, #tpu.memory_space<vmem>>) dst(%dma_wait3A_286 : memref<128x256xf32, #tpu.memory_space<hbm>>)
          "tpu.trace_stop"() : () -> ()
        } else {
        }
        %and3A_253 = arith.constant true
        %and3A_254 = arith.andi %and3A_249, %and3A_253 : i1
        %add3A_255 = arith.constant 1 : i32
        %add3A_256 = arith.addi %scan3A_134, %add3A_255 : i32
        %select_n3A_257 = arith.select %and3A_254, %add3A_256, %scan3A_134 : i32
        %ne3A_258 = arith.cmpi ne, %add3A_140, %add3A_158 : i32
        %or3A_259 = arith.constant false
        %or3A_260 = arith.ori %or3A_259, %ne3A_258 : i1
        %or3A_261 = arith.ori %or3A_260, %eq3A_139 : i1
        %add3A_262 = arith.constant 1 : i32
        %add3A_263 = arith.addi %scan3A_132, %add3A_262 : i32
        %select_n3A_264 = arith.select %or3A_261, %add3A_263, %scan3A_132 : i32
        %add3A_265 = arith.constant 1 : i32
        %add3A_266 = arith.addi %scan3A_135, %add3A_265 : i32
        %select_n3A_267 = arith.constant true
        %select_n3A_268 = arith.select %select_n3A_267, %add3A_266, %scan3A_135 : i32
        %eq3A_269 = arith.constant 8 : i32
        %eq3A_270 = arith.cmpi eq, %select_n3A_268, %eq3A_269 : i32
        %select_n3A_271 = arith.constant 0 : i32
        %select_n3A_272 = arith.select %eq3A_270, %select_n3A_271, %select_n3A_268 : i32
        scf.yield %select_n3A_176, %select_n3A_264, %select_n3A_230, %select_n3A_257, %select_n3A_272 : i32, i32, i32, i32, i32
      }
      %scan3A_77 = arith.constant 8 : i32
      %sub3A = arith.constant 1 : i32
      %sub3A_78 = arith.subi %scan3A_76#4, %sub3A : i32
      %select_n3A_79 = arith.constant true
      %select_n3A_80 = arith.select %select_n3A_79, %sub3A_78, %scan3A_76#4 : i32
      %eq3A_81 = arith.constant -1 : i32
      %eq3A_82 = arith.cmpi eq, %select_n3A_80, %eq3A_81 : i32
      %select_n3A_83 = arith.constant 7 : i32
      %select_n3A_84 = arith.select %eq3A_82, %select_n3A_83, %select_n3A_80 : i32
      %add3A_85 = arith.addi %select_n3A_84, %mul3A_15 : i32
      %sub3A_86 = arith.constant 1 : i32
      %sub3A_87 = arith.subi %select_n3A_84, %sub3A_86 : i32
      %select_n3A_88 = arith.constant true
      %select_n3A_89 = arith.select %select_n3A_88, %sub3A_87, %select_n3A_84 : i32
      %eq3A_90 = arith.constant -1 : i32
      %eq3A_91 = arith.cmpi eq, %select_n3A_89, %eq3A_90 : i32
      %select_n3A_92 = arith.constant 7 : i32
      %select_n3A_93 = arith.select %eq3A_91, %select_n3A_92, %select_n3A_89 : i32
      %add3A_94 = arith.addi %select_n3A_93, %mul3A_15 : i32
      %add3A_95 = arith.constant 1 : i32
      %add3A_96 = arith.addi %select_n3A_84, %add3A_95 : i32
      %select_n3A_97 = arith.constant true
      %select_n3A_98 = arith.select %select_n3A_97, %add3A_96, %select_n3A_84 : i32
      %eq3A_99 = arith.constant 8 : i32
      %eq3A_100 = arith.cmpi eq, %select_n3A_98, %eq3A_99 : i32
      %select_n3A_101 = arith.constant 0 : i32
      %select_n3A_102 = arith.select %eq3A_100, %select_n3A_101, %select_n3A_98 : i32
      %add3A_103 = arith.addi %select_n3A_102, %mul3A_15 : i32
      %add3A_104 = arith.constant 1 : i32
      %add3A_105 = arith.addi %select_n3A_102, %add3A_104 : i32
      %select_n3A_106 = arith.constant true
      %select_n3A_107 = arith.select %select_n3A_106, %add3A_105, %select_n3A_102 : i32
      %eq3A_108 = arith.constant 8 : i32
      %eq3A_109 = arith.cmpi eq, %select_n3A_107, %eq3A_108 : i32
      %select_n3A_110 = arith.constant 0 : i32
      %select_n3A_111 = arith.select %eq3A_109, %select_n3A_110, %select_n3A_107 : i32
      %add3A_112 = arith.addi %select_n3A_111, %mul3A_15 : i32
      "tpu.trace_start"() <{level = 10 : i32, message = "ep_finalize"}> : () -> ()
      %rem3A_113 = arith.constant 2 : i32
      %rem3A_114 = arith.remui %scan3A_76#3, %rem3A_113 : i32
      %mul3A_115 = arith.constant 128 : i32
      %mul3A_116 = arith.muli %mul3A_115, %add3A_85 : i32
      %dma_wait3A = arith.constant 0 : i32
      %dma_wait3A_117 = arith.constant 0 : i32
      %dma_wait3A_118 = tpu.memref_slice %run_scoped3A_17[%rem3A_114, %dma_wait3A, %dma_wait3A_117] : memref<2x128x256xf32, #tpu.memory_space<vmem>> -> memref<1x128x256xf32, #tpu.memory_space<vmem>>
      %dma_wait3A_119 = tpu.memref_squeeze %dma_wait3A_118 : memref<1x128x256xf32, #tpu.memory_space<vmem>> -> memref<128x256xf32, #tpu.memory_space<vmem>>
      %dma_wait3A_120 = arith.constant 0 : i32
      %dma_wait3A_121 = tpu.memref_slice %arg6[%mul3A_116, %dma_wait3A_120] : memref<32768x256xf32, #tpu.memory_space<hbm>> -> memref<128x256xf32, #tpu.memory_space<hbm>>
      %dma_wait3A_122 = tpu.memref_slice %run_scoped3A_18[%rem3A_114] : memref<2x!tpu.dma_semaphore, #tpu.memory_space<semaphore_mem>> -> memref<1x!tpu.dma_semaphore, #tpu.memory_space<semaphore_mem>>
      %dma_wait3A_123 = tpu.memref_squeeze %dma_wait3A_122 : memref<1x!tpu.dma_semaphore, #tpu.memory_space<semaphore_mem>> -> memref<!tpu.dma_semaphore, #tpu.memory_space<semaphore_mem>>
      %dma_wait3A_124 = arith.constant 0 : i32
      %dma_wait3A_125 = tpu.memref_slice %arg6[%mul3A_116, %dma_wait3A_124] : memref<32768x256xf32, #tpu.memory_space<hbm>> -> memref<128x256xf32, #tpu.memory_space<hbm>>
      %dma_wait3A_126 = arith.constant 0 : i32
      %dma_wait3A_127 = arith.constant 0 : i32
      %dma_wait3A_128 = tpu.memref_slice %run_scoped3A_17[%rem3A_114, %dma_wait3A_126, %dma_wait3A_127] : memref<2x128x256xf32, #tpu.memory_space<vmem>> -> memref<1x128x256xf32, #tpu.memory_space<vmem>>
      %dma_wait3A_129 = tpu.memref_squeeze %dma_wait3A_128 : memref<1x128x256xf32, #tpu.memory_space<vmem>> -> memref<128x256xf32, #tpu.memory_space<vmem>>
      tpu.wait_dma2 semaphore(%dma_wait3A_123 : memref<!tpu.dma_semaphore, #tpu.memory_space<semaphore_mem>>) src(%dma_wait3A_129 : memref<128x256xf32, #tpu.memory_space<vmem>>) dst(%dma_wait3A_125 : memref<128x256xf32, #tpu.memory_space<hbm>>)
      "tpu.trace_stop"() : () -> ()
      tpu.yield
    }) : () -> ()
    return
  }
}

module attributes {stable_mosaic.version = 14 : i64} {
  func.func @_bidx_kernel(%arg0: i32, %arg1: memref<1x1x8192xf32, #tpu.memory_space<vmem>>, %arg2: memref<256x128xf32, #tpu.memory_space<vmem>>, %arg3: memref<1x1x8192xi32, #tpu.memory_space<vmem>>) attributes {dimension_semantics = [#tpu.dimension_semantics<arbitrary>], iteration_bounds = array<i64: 4>, scalar_prefetch = 0 : i64, scratch_operands = 0 : i64, tpu.core_type = #tpu.core_type<tc>, window_params = [{transform_indices = @transform_0, window_bounds = array<i64: 1, 1, 8192>}, {pipeline_mode = #tpu.pipeline_mode<synchronous>, transform_indices = @transform_1, window_bounds = array<i64: 256, 128>}, {transform_indices = @transform_2, window_bounds = array<i64: 1, 1, 8192>}]} {
    %get3A = arith.constant 0 : index
    %get3A_0 = arith.constant 0 : index
    %get3A_1 = arith.constant 0 : index
    %get3A_2 = vector.load %arg1[%get3A, %get3A_0, %get3A_1] : memref<1x1x8192xf32, #tpu.memory_space<vmem>>, vector<1x1x8192xf32>
    %get3A_3 = vector.shape_cast %get3A_2 : vector<1x1x8192xf32> to vector<1x8192xf32>
    %get3A_4 = arith.constant 0 : index
    %get3A_5 = arith.constant 0 : index
    %get3A_6 = vector.load %arg2[%get3A_4, %get3A_5] : memref<256x128xf32, #tpu.memory_space<vmem>>, vector<256x1xf32>
    %lt3A = vector.broadcast %get3A_6 : vector<256x1xf32> to vector<256x8192xf32>
    %lt3A_7 = vector.broadcast %get3A_3 : vector<1x8192xf32> to vector<256x8192xf32>
    %lt3A_8 = arith.cmpf olt, %lt3A, %lt3A_7 : vector<256x8192xf32>
    %convert_element_type3A = arith.extui %lt3A_8 : vector<256x8192xi1> to vector<256x8192xi32>
    %convert_element_type3A_9 = arith.sitofp %convert_element_type3A : vector<256x8192xi32> to vector<256x8192xf32>
    %convert_element_type3A_10 = arith.truncf %convert_element_type3A_9 : vector<256x8192xf32> to vector<256x8192xbf16>
    %broadcast_in_dim3A = arith.constant 1.000000e+00 : f32
    %broadcast_in_dim3A_11 = vector.broadcast %broadcast_in_dim3A : f32 to vector<1x256xf32>
    %convert_element_type3A_12 = arith.truncf %broadcast_in_dim3A_11 : vector<1x256xf32> to vector<1x256xbf16>
    %dot_general3A = arith.constant dense<0.000000e+00> : vector<1x8192xf32>
    %dot_general3A_13 = tpu.matmul %convert_element_type3A_12, %convert_element_type3A_10, %dot_general3A {dimension_numbers = #tpu.dot_dimension_numbers<[1], [0], [0], [1], [0, 0, 1, 1], [], []>, transpose_lhs_hint = false} : vector<1x256xbf16>, vector<256x8192xbf16>, vector<1x8192xf32> -> vector<1x8192xf32>
    %squeeze3A = vector.shape_cast %dot_general3A_13 : vector<1x8192xf32> to vector<8192xf32>
    %convert_element_type3A_14 = arith.fptosi %squeeze3A : vector<8192xf32> to vector<8192xi32>
    %swap3A = arith.constant 0 : index
    %swap3A_15 = arith.constant 0 : index
    %swap3A_16 = arith.constant 0 : index
    %swap3A_17 = vector.load %arg3[%swap3A, %swap3A_15, %swap3A_16] : memref<1x1x8192xi32, #tpu.memory_space<vmem>>, vector<1x1x8192xi32>
    %swap3A_18 = vector.shape_cast %swap3A_17 : vector<1x1x8192xi32> to vector<8192xi32>
    %swap3A_19 = vector.shape_cast %convert_element_type3A_14 : vector<8192xi32> to vector<1x1x8192xi32>
    tpu.vector_store %arg3[%swap3A, %swap3A_15, %swap3A_16], %swap3A_19 {strides = array<i32>} : memref<1x1x8192xi32, #tpu.memory_space<vmem>>, vector<1x1x8192xi32>,
    return
  }
  func.func @transform_0(%arg0: i32) -> (i32, i32, i32) {
    %c0_i32 = arith.constant 0 : i32
    %c0_i32_0 = arith.constant 0 : i32
    %c0_i32_1 = arith.constant 0 : i32
    return %arg0, %c0_i32, %c0_i32_0 : i32, i32, i32
  }
  func.func @transform_1(%arg0: i32) -> (i32, i32) {
    %c0_i32 = arith.constant 0 : i32
    %c0_i32_0 = arith.constant 0 : i32
    %c0_i32_1 = arith.constant 0 : i32
    return %c0_i32, %c0_i32_0 : i32, i32
  }
  func.func @transform_2(%arg0: i32) -> (i32, i32, i32) {
    %c0_i32 = arith.constant 0 : i32
    %c0_i32_0 = arith.constant 0 : i32
    %c0_i32_1 = arith.constant 0 : i32
    return %arg0, %c0_i32, %c0_i32_0 : i32, i32, i32
  }
}

module attributes {stable_mosaic.version = 14 : i64} {
  func.func @_mega_kernel(%arg0: i32, %arg1: memref<1x512x256xf32, #tpu.memory_space<vmem>>, %arg2: memref<1x512x1xf32, #tpu.memory_space<vmem>>, %arg3: memref<1x1x2048xf32, #tpu.memory_space<vmem>>, %arg4: memref<8x256xf32, #tpu.memory_space<vmem>>, %arg5: memref<8x128xf32, #tpu.memory_space<vmem>>, %arg6: memref<3x256x256xf32, #tpu.memory_space<vmem>>, %arg7: memref<1x256xf32, #tpu.memory_space<vmem>>, %arg8: memref<1x256xf32, #tpu.memory_space<vmem>>, %arg9: memref<1x256xf32, #tpu.memory_space<vmem>>, %arg10: memref<3x256x256xf32, #tpu.memory_space<vmem>>, %arg11: memref<1x256xf32, #tpu.memory_space<vmem>>, %arg12: memref<1x256xf32, #tpu.memory_space<vmem>>, %arg13: memref<1x256xf32, #tpu.memory_space<vmem>>, %arg14: memref<1x256xf32, #tpu.memory_space<vmem>>, %arg15: memref<3x256x256xf32, #tpu.memory_space<vmem>>, %arg16: memref<1x256xf32, #tpu.memory_space<vmem>>, %arg17: memref<1x256xf32, #tpu.memory_space<vmem>>, %arg18: memref<1x256xf32, #tpu.memory_space<vmem>>, %arg19: memref<3x256x256xf32, #tpu.memory_space<vmem>>, %arg20: memref<1x256xf32, #tpu.memory_space<vmem>>, %arg21: memref<1x256xf32, #tpu.memory_space<vmem>>, %arg22: memref<1x256xf32, #tpu.memory_space<vmem>>, %arg23: memref<1x256xf32, #tpu.memory_space<vmem>>, %arg24: memref<3x256x256xf32, #tpu.memory_space<vmem>>, %arg25: memref<1x256xf32, #tpu.memory_space<vmem>>, %arg26: memref<1x256xf32, #tpu.memory_space<vmem>>, %arg27: memref<1x256xf32, #tpu.memory_space<vmem>>, %arg28: memref<3x256x256xf32, #tpu.memory_space<vmem>>, %arg29: memref<1x256xf32, #tpu.memory_space<vmem>>, %arg30: memref<1x256xf32, #tpu.memory_space<vmem>>, %arg31: memref<1x256xf32, #tpu.memory_space<vmem>>, %arg32: memref<1x256xf32, #tpu.memory_space<vmem>>, %arg33: memref<256x512xf32, #tpu.memory_space<vmem>>, %arg34: memref<1x2048x256xf32, #tpu.memory_space<vmem>>, %arg35: memref<1x1x2048xf32, #tpu.memory_space<vmem>>, %arg36: memref<1x1x2048xf32, #tpu.memory_space<vmem>>, %arg37: memref<1x1x512xf32, #tpu.memory_space<vmem>>, %arg38: memref<1x1x2048xf32, #tpu.memory_space<vmem>>) attributes {dimension_semantics = [#tpu.dimension_semantics<arbitrary>], iteration_bounds = array<i64: 16>, scalar_prefetch = 0 : i64, scratch_operands = 0 : i64, tpu.core_type = #tpu.core_type<tc>, window_params = [{transform_indices = @transform_0, window_bounds = array<i64: 1, 512, 256>}, {transform_indices = @transform_1, window_bounds = array<i64: 1, 512, 1>}, {transform_indices = @transform_2, window_bounds = array<i64: 1, 1, 2048>}, {pipeline_mode = #tpu.pipeline_mode<synchronous>, transform_indices = @transform_3, window_bounds = array<i64: 8, 256>}, {pipeline_mode = #tpu.pipeline_mode<synchronous>, transform_indices = @transform_4, window_bounds = array<i64: 8, 128>}, {pipeline_mode = #tpu.pipeline_mode<synchronous>, transform_indices = @transform_5, window_bounds = array<i64: 3, 256, 256>}, {pipeline_mode = #tpu.pipeline_mode<synchronous>, transform_indices = @transform_6, window_bounds = array<i64: 1, 256>}, {pipeline_mode = #tpu.pipeline_mode<synchronous>, transform_indices = @transform_7, window_bounds = array<i64: 1, 256>}, {pipeline_mode = #tpu.pipeline_mode<synchronous>, transform_indices = @transform_8, window_bounds = array<i64: 1, 256>}, {pipeline_mode = #tpu.pipeline_mode<synchronous>, transform_indices = @transform_9, window_bounds = array<i64: 3, 256, 256>}, {pipeline_mode = #tpu.pipeline_mode<synchronous>, transform_indices = @transform_10, window_bounds = array<i64: 1, 256>}, {pipeline_mode = #tpu.pipeline_mode<synchronous>, transform_indices = @transform_11, window_bounds = array<i64: 1, 256>}, {pipeline_mode = #tpu.pipeline_mode<synchronous>, transform_indices = @transform_12, window_bounds = array<i64: 1, 256>}, {pipeline_mode = #tpu.pipeline_mode<synchronous>, transform_indices = @transform_13, window_bounds = array<i64: 1, 256>}, {pipeline_mode = #tpu.pipeline_mode<synchronous>, transform_indices = @transform_14, window_bounds = array<i64: 3, 256, 256>}, {pipeline_mode = #tpu.pipeline_mode<synchronous>, transform_indices = @transform_15, window_bounds = array<i64: 1, 256>}, {pipeline_mode = #tpu.pipeline_mode<synchronous>, transform_indices = @transform_16, window_bounds = array<i64: 1, 256>}, {pipeline_mode = #tpu.pipeline_mode<synchronous>, transform_indices = @transform_17, window_bounds = array<i64: 1, 256>}, {pipeline_mode = #tpu.pipeline_mode<synchronous>, transform_indices = @transform_18, window_bounds = array<i64: 3, 256, 256>}, {pipeline_mode = #tpu.pipeline_mode<synchronous>, transform_indices = @transform_19, window_bounds = array<i64: 1, 256>}, {pipeline_mode = #tpu.pipeline_mode<synchronous>, transform_indices = @transform_20, window_bounds = array<i64: 1, 256>}, {pipeline_mode = #tpu.pipeline_mode<synchronous>, transform_indices = @transform_21, window_bounds = array<i64: 1, 256>}, {pipeline_mode = #tpu.pipeline_mode<synchronous>, transform_indices = @transform_22, window_bounds = array<i64: 1, 256>}, {pipeline_mode = #tpu.pipeline_mode<synchronous>, transform_indices = @transform_23, window_bounds = array<i64: 3, 256, 256>}, {pipeline_mode = #tpu.pipeline_mode<synchronous>, transform_indices = @transform_24, window_bounds = array<i64: 1, 256>}, {pipeline_mode = #tpu.pipeline_mode<synchronous>, transform_indices = @transform_25, window_bounds = array<i64: 1, 256>}, {pipeline_mode = #tpu.pipeline_mode<synchronous>, transform_indices = @transform_26, window_bounds = array<i64: 1, 256>}, {pipeline_mode = #tpu.pipeline_mode<synchronous>, transform_indices = @transform_27, window_bounds = array<i64: 3, 256, 256>}, {pipeline_mode = #tpu.pipeline_mode<synchronous>, transform_indices = @transform_28, window_bounds = array<i64: 1, 256>}, {pipeline_mode = #tpu.pipeline_mode<synchronous>, transform_indices = @transform_29, window_bounds = array<i64: 1, 256>}, {pipeline_mode = #tpu.pipeline_mode<synchronous>, transform_indices = @transform_30, window_bounds = array<i64: 1, 256>}, {pipeline_mode = #tpu.pipeline_mode<synchronous>, transform_indices = @transform_31, window_bounds = array<i64: 1, 256>}, {pipeline_mode = #tpu.pipeline_mode<synchronous>, transform_indices = @transform_32, window_bounds = array<i64: 256, 512>}, {transform_indices = @transform_33, window_bounds = array<i64: 1, 2048, 256>}, {transform_indices = @transform_34, window_bounds = array<i64: 1, 1, 2048>}, {transform_indices = @transform_35, window_bounds = array<i64: 1, 1, 2048>}, {transform_indices = @transform_36, window_bounds = array<i64: 1, 1, 512>}, {transform_indices = @transform_37, window_bounds = array<i64: 1, 1, 2048>}]} {
    %get3A = arith.constant 0 : index
    %get3A_0 = arith.constant 0 : index
    %get3A_1 = arith.constant 0 : index
    %get3A_2 = vector.load %arg1[%get3A, %get3A_0, %get3A_1] : memref<1x512x256xf32, #tpu.memory_space<vmem>>, vector<1x512x256xf32>
    %get3A_3 = vector.shape_cast %get3A_2 : vector<1x512x256xf32> to vector<512x256xf32>
    %get3A_4 = arith.constant 0 : index
    %get3A_5 = arith.constant 0 : index
    %get3A_6 = arith.constant 0 : index
    %get3A_7 = vector.load %arg2[%get3A_4, %get3A_5, %get3A_6] : memref<1x512x1xf32, #tpu.memory_space<vmem>>, vector<1x512x1xf32>
    %get3A_8 = vector.shape_cast %get3A_7 : vector<1x512x1xf32> to vector<512x1xf32>
    %get3A_9 = arith.constant 0 : index
    %get3A_10 = arith.constant 0 : index
    %get3A_11 = arith.constant 0 : index
    %get3A_12 = vector.load %arg3[%get3A_9, %get3A_10, %get3A_11] : memref<1x1x2048xf32, #tpu.memory_space<vmem>>, vector<1x1x2048xf32>
    %get3A_13 = vector.shape_cast %get3A_12 : vector<1x1x2048xf32> to vector<1x2048xf32>
    %get3A_14 = arith.constant 0 : index
    %get3A_15 = arith.constant 0 : index
    %get3A_16 = vector.load %arg5[%get3A_14, %get3A_15] : memref<8x128xf32, #tpu.memory_space<vmem>>, vector<1x1xf32>
    %get3A_17 = vector.extract %get3A_16[0, 0] : f32 from vector<1x1xf32>
    %get3A_18 = arith.constant 0 : index
    %get3A_19 = arith.constant 0 : index
    %get3A_20 = vector.load %arg7[%get3A_18, %get3A_19] : memref<1x256xf32, #tpu.memory_space<vmem>>, vector<1x256xf32>
    %get3A_21 = arith.constant 0 : index
    %get3A_22 = arith.constant 0 : index
    %get3A_23 = vector.load %arg8[%get3A_21, %get3A_22] : memref<1x256xf32, #tpu.memory_space<vmem>>, vector<1x256xf32>
    %get3A_24 = arith.constant 0 : index
    %get3A_25 = arith.constant 0 : index
    %get3A_26 = vector.load %arg9[%get3A_24, %get3A_25] : memref<1x256xf32, #tpu.memory_space<vmem>>, vector<1x256xf32>
    %get3A_27 = arith.constant 0 : index
    %get3A_28 = arith.constant 0 : index
    %get3A_29 = vector.load %arg11[%get3A_27, %get3A_28] : memref<1x256xf32, #tpu.memory_space<vmem>>, vector<1x256xf32>
    %get3A_30 = arith.constant 0 : index
    %get3A_31 = arith.constant 0 : index
    %get3A_32 = vector.load %arg12[%get3A_30, %get3A_31] : memref<1x256xf32, #tpu.memory_space<vmem>>, vector<1x256xf32>
    %get3A_33 = arith.constant 0 : index
    %get3A_34 = arith.constant 0 : index
    %get3A_35 = vector.load %arg13[%get3A_33, %get3A_34] : memref<1x256xf32, #tpu.memory_space<vmem>>, vector<1x256xf32>
    %get3A_36 = arith.constant 0 : index
    %get3A_37 = arith.constant 0 : index
    %get3A_38 = vector.load %arg14[%get3A_36, %get3A_37] : memref<1x256xf32, #tpu.memory_space<vmem>>, vector<1x256xf32>
    %convert_element_type3A = arith.truncf %get3A_3 : vector<512x256xf32> to vector<512x256xbf16>
    %get3A_39 = arith.constant 0 : index
    %get3A_40 = arith.constant 0 : index
    %get3A_41 = arith.constant 0 : index
    %get3A_42 = vector.load %arg6[%get3A_39, %get3A_40, %get3A_41] : memref<3x256x256xf32, #tpu.memory_space<vmem>>, vector<3x256x256xf32>
    %convert_element_type3A_43 = arith.truncf %get3A_42 : vector<3x256x256xf32> to vector<3x256x256xbf16>
    %slice3A = vector.extract_strided_slice %convert_element_type3A_43 {offsets = [0, 0, 0], sizes = [1, 256, 256], strides = [1, 1, 1]} : vector<3x256x256xbf16> to vector<1x256x256xbf16>
    %squeeze3A = vector.shape_cast %slice3A : vector<1x256x256xbf16> to vector<256x256xbf16>
    %dot_general3A = arith.constant dense<0.000000e+00> : vector<512x256xf32>
    %dot_general3A_44 = tpu.matmul %convert_element_type3A, %squeeze3A, %dot_general3A {dimension_numbers = #tpu.dot_dimension_numbers<[1], [1], [0], [0], [0, 0, 1, 0], [], []>, transpose_lhs_hint = false} : vector<512x256xbf16>, vector<256x256xbf16>, vector<512x256xf32> -> vector<512x256xf32>
    %broadcast_in_dim3A = arith.constant 0.000000e+00 : f32
    %broadcast_in_dim3A_45 = vector.broadcast %broadcast_in_dim3A : f32 to vector<1x256xf32>
    %slice3A_46 = vector.extract_strided_slice %dot_general3A_44 {offsets = [0, 0], sizes = [511, 256], strides = [1, 1]} : vector<512x256xf32> to vector<511x256xf32>
    %concatenate3A = tpu.concatenate %broadcast_in_dim3A_45, %slice3A_46 in 0 : vector<1x256xf32>, vector<511x256xf32> -> vector<512x256xf32>
    %slice3A_47 = vector.extract_strided_slice %convert_element_type3A_43 {offsets = [1, 0, 0], sizes = [1, 256, 256], strides = [1, 1, 1]} : vector<3x256x256xbf16> to vector<1x256x256xbf16>
    %squeeze3A_48 = vector.shape_cast %slice3A_47 : vector<1x256x256xbf16> to vector<256x256xbf16>
    %dot_general3A_49 = arith.constant dense<0.000000e+00> : vector<512x256xf32>
    %dot_general3A_50 = tpu.matmul %convert_element_type3A, %squeeze3A_48, %dot_general3A_49 {dimension_numbers = #tpu.dot_dimension_numbers<[1], [1], [0], [0], [0, 0, 1, 0], [], []>, transpose_lhs_hint = false} : vector<512x256xbf16>, vector<256x256xbf16>, vector<512x256xf32> -> vector<512x256xf32>
    %add3A = arith.addf %concatenate3A, %dot_general3A_50 : vector<512x256xf32>
    %slice3A_51 = vector.extract_strided_slice %convert_element_type3A_43 {offsets = [2, 0, 0], sizes = [1, 256, 256], strides = [1, 1, 1]} : vector<3x256x256xbf16> to vector<1x256x256xbf16>
    %squeeze3A_52 = vector.shape_cast %slice3A_51 : vector<1x256x256xbf16> to vector<256x256xbf16>
    %dot_general3A_53 = arith.constant dense<0.000000e+00> : vector<512x256xf32>
    %dot_general3A_54 = tpu.matmul %convert_element_type3A, %squeeze3A_52, %dot_general3A_53 {dimension_numbers = #tpu.dot_dimension_numbers<[1], [1], [0], [0], [0, 0, 1, 0], [], []>, transpose_lhs_hint = false} : vector<512x256xbf16>, vector<256x256xbf16>, vector<512x256xf32> -> vector<512x256xf32>
    %broadcast_in_dim3A_55 = arith.constant 0.000000e+00 : f32
    %broadcast_in_dim3A_56 = vector.broadcast %broadcast_in_dim3A_55 : f32 to vector<1x256xf32>
    %slice3A_57 = vector.extract_strided_slice %dot_general3A_54 {offsets = [1, 0], sizes = [511, 256], strides = [1, 1]} : vector<512x256xf32> to vector<511x256xf32>
    %concatenate3A_58 = tpu.concatenate %slice3A_57, %broadcast_in_dim3A_56 in 0 : vector<511x256xf32>, vector<1x256xf32> -> vector<512x256xf32>
    %add3A_59 = arith.addf %add3A, %concatenate3A_58 : vector<512x256xf32>
    %add3A_60 = vector.broadcast %get3A_20 : vector<1x256xf32> to vector<512x256xf32>
    %add3A_61 = arith.addf %add3A_59, %add3A_60 : vector<512x256xf32>
    %max3A = arith.constant 0.000000e+00 : f32
    %max3A_62 = vector.broadcast %max3A : f32 to vector<512x256xf32>
    %max3A_63 = arith.maximumf %add3A_61, %max3A_62 : vector<512x256xf32>
    %reduce_sum3A = arith.constant dense<0.000000e+00> : vector<512xf32>
    %reduce_sum3A_64 = vector.multi_reduction <add>, %max3A_63, %reduce_sum3A [1] : vector<512x256xf32> to vector<512xf32>
    %broadcast_in_dim3A_65 = vector.shape_cast %reduce_sum3A_64 : vector<512xf32> to vector<512x1xf32>
    %div3A = arith.constant 2.560000e+02 : f32
    %div3A_66 = vector.broadcast %div3A : f32 to vector<512x1xf32>
    %div3A_67 = arith.divf %broadcast_in_dim3A_65, %div3A_66 : vector<512x1xf32>
    %jit3A = arith.constant 0 : i32
    %reduce_sum3A_68 = arith.constant dense<0.000000e+00> : vector<512xf32>
    %reduce_sum3A_69 = vector.multi_reduction <add>, %max3A_63, %reduce_sum3A_68 [1] : vector<512x256xf32> to vector<512xf32>
    %broadcast_in_dim3A_70 = vector.shape_cast %reduce_sum3A_69 : vector<512xf32> to vector<512x1xf32>
    %div3A_71 = arith.constant 2.560000e+02 : f32
    %div3A_72 = vector.broadcast %div3A_71 : f32 to vector<512x1xf32>
    %div3A_73 = arith.divf %broadcast_in_dim3A_70, %div3A_72 : vector<512x1xf32>
    %sub3A = vector.broadcast %div3A_73 : vector<512x1xf32> to vector<512x256xf32>
    %sub3A_74 = arith.subf %max3A_63, %sub3A : vector<512x256xf32>
    %square3A = arith.mulf %sub3A_74, %sub3A_74 : vector<512x256xf32>
    %convert_element_type3A_75 = arith.sitofp %jit3A : i32 to f32
    %sub3A_76 = arith.constant 2.560000e+02 : f32
    %sub3A_77 = arith.subf %sub3A_76, %convert_element_type3A_75 : f32
    %reduce_sum3A_78 = arith.constant dense<0.000000e+00> : vector<512xf32>
    %reduce_sum3A_79 = vector.multi_reduction <add>, %square3A, %reduce_sum3A_78 [1] : vector<512x256xf32> to vector<512xf32>
    %broadcast_in_dim3A_80 = vector.shape_cast %reduce_sum3A_79 : vector<512xf32> to vector<512x1xf32>
    %div3A_81 = vector.broadcast %sub3A_77 : f32 to vector<512x1xf32>
    %div3A_82 = arith.divf %broadcast_in_dim3A_80, %div3A_81 : vector<512x1xf32>
    %gt3A = arith.constant 0.000000e+00 : f32
    %gt3A_83 = arith.cmpf ogt, %sub3A_77, %gt3A : f32
    %jit3A_84 = arith.constant 0x7FC00000 : f32
    %broadcast_in_dim3A_85 = vector.broadcast %jit3A_84 : f32 to vector<512x1xf32>
    %select_n3A = arith.select %gt3A_83, %div3A_82, %broadcast_in_dim3A_85 : vector<512x1xf32>
    %sub3A_86 = vector.broadcast %div3A_67 : vector<512x1xf32> to vector<512x256xf32>
    %sub3A_87 = arith.subf %max3A_63, %sub3A_86 : vector<512x256xf32>
    %add3A_88 = arith.constant 9.99999974E-6 : f32
    %add3A_89 = vector.broadcast %add3A_88 : f32 to vector<512x1xf32>
    %add3A_90 = arith.addf %select_n3A, %add3A_89 : vector<512x1xf32>
    %sqrt3A = math.sqrt %add3A_90 : vector<512x1xf32>
    %div3A_91 = vector.broadcast %sqrt3A : vector<512x1xf32> to vector<512x256xf32>
    %div3A_92 = arith.divf %sub3A_87, %div3A_91 : vector<512x256xf32>
    %mul3A = vector.broadcast %get3A_23 : vector<1x256xf32> to vector<512x256xf32>
    %mul3A_93 = arith.mulf %div3A_92, %mul3A : vector<512x256xf32>
    %add3A_94 = vector.broadcast %get3A_26 : vector<1x256xf32> to vector<512x256xf32>
    %add3A_95 = arith.addf %mul3A_93, %add3A_94 : vector<512x256xf32>
    %convert_element_type3A_96 = arith.truncf %add3A_95 : vector<512x256xf32> to vector<512x256xbf16>
    %get3A_97 = arith.constant 0 : index
    %get3A_98 = arith.constant 0 : index
    %get3A_99 = arith.constant 0 : index
    %get3A_100 = vector.load %arg10[%get3A_97, %get3A_98, %get3A_99] : memref<3x256x256xf32, #tpu.memory_space<vmem>>, vector<3x256x256xf32>
    %convert_element_type3A_101 = arith.truncf %get3A_100 : vector<3x256x256xf32> to vector<3x256x256xbf16>
    %slice3A_102 = vector.extract_strided_slice %convert_element_type3A_101 {offsets = [0, 0, 0], sizes = [1, 256, 256], strides = [1, 1, 1]} : vector<3x256x256xbf16> to vector<1x256x256xbf16>
    %squeeze3A_103 = vector.shape_cast %slice3A_102 : vector<1x256x256xbf16> to vector<256x256xbf16>
    %dot_general3A_104 = arith.constant dense<0.000000e+00> : vector<512x256xf32>
    %dot_general3A_105 = tpu.matmul %convert_element_type3A_96, %squeeze3A_103, %dot_general3A_104 {dimension_numbers = #tpu.dot_dimension_numbers<[1], [1], [0], [0], [0, 0, 1, 0], [], []>, transpose_lhs_hint = false} : vector<512x256xbf16>, vector<256x256xbf16>, vector<512x256xf32> -> vector<512x256xf32>
    %broadcast_in_dim3A_106 = arith.constant 0.000000e+00 : f32
    %broadcast_in_dim3A_107 = vector.broadcast %broadcast_in_dim3A_106 : f32 to vector<1x256xf32>
    %slice3A_108 = vector.extract_strided_slice %dot_general3A_105 {offsets = [0, 0], sizes = [511, 256], strides = [1, 1]} : vector<512x256xf32> to vector<511x256xf32>
    %concatenate3A_109 = tpu.concatenate %broadcast_in_dim3A_107, %slice3A_108 in 0 : vector<1x256xf32>, vector<511x256xf32> -> vector<512x256xf32>
    %slice3A_110 = vector.extract_strided_slice %convert_element_type3A_101 {offsets = [1, 0, 0], sizes = [1, 256, 256], strides = [1, 1, 1]} : vector<3x256x256xbf16> to vector<1x256x256xbf16>
    %squeeze3A_111 = vector.shape_cast %slice3A_110 : vector<1x256x256xbf16> to vector<256x256xbf16>
    %dot_general3A_112 = arith.constant dense<0.000000e+00> : vector<512x256xf32>
    %dot_general3A_113 = tpu.matmul %convert_element_type3A_96, %squeeze3A_111, %dot_general3A_112 {dimension_numbers = #tpu.dot_dimension_numbers<[1], [1], [0], [0], [0, 0, 1, 0], [], []>, transpose_lhs_hint = false} : vector<512x256xbf16>, vector<256x256xbf16>, vector<512x256xf32> -> vector<512x256xf32>
    %add3A_114 = arith.addf %concatenate3A_109, %dot_general3A_113 : vector<512x256xf32>
    %slice3A_115 = vector.extract_strided_slice %convert_element_type3A_101 {offsets = [2, 0, 0], sizes = [1, 256, 256], strides = [1, 1, 1]} : vector<3x256x256xbf16> to vector<1x256x256xbf16>
    %squeeze3A_116 = vector.shape_cast %slice3A_115 : vector<1x256x256xbf16> to vector<256x256xbf16>
    %dot_general3A_117 = arith.constant dense<0.000000e+00> : vector<512x256xf32>
    %dot_general3A_118 = tpu.matmul %convert_element_type3A_96, %squeeze3A_116, %dot_general3A_117 {dimension_numbers = #tpu.dot_dimension_numbers<[1], [1], [0], [0], [0, 0, 1, 0], [], []>, transpose_lhs_hint = false} : vector<512x256xbf16>, vector<256x256xbf16>, vector<512x256xf32> -> vector<512x256xf32>
    %broadcast_in_dim3A_119 = arith.constant 0.000000e+00 : f32
    %broadcast_in_dim3A_120 = vector.broadcast %broadcast_in_dim3A_119 : f32 to vector<1x256xf32>
    %slice3A_121 = vector.extract_strided_slice %dot_general3A_118 {offsets = [1, 0], sizes = [511, 256], strides = [1, 1]} : vector<512x256xf32> to vector<511x256xf32>
    %concatenate3A_122 = tpu.concatenate %slice3A_121, %broadcast_in_dim3A_120 in 0 : vector<511x256xf32>, vector<1x256xf32> -> vector<512x256xf32>
    %add3A_123 = arith.addf %add3A_114, %concatenate3A_122 : vector<512x256xf32>
    %add3A_124 = vector.broadcast %get3A_29 : vector<1x256xf32> to vector<512x256xf32>
    %add3A_125 = arith.addf %add3A_123, %add3A_124 : vector<512x256xf32>
    %max3A_126 = arith.constant 0.000000e+00 : f32
    %max3A_127 = vector.broadcast %max3A_126 : f32 to vector<512x256xf32>
    %max3A_128 = arith.maximumf %add3A_125, %max3A_127 : vector<512x256xf32>
    %reduce_sum3A_129 = arith.constant dense<0.000000e+00> : vector<512xf32>
    %reduce_sum3A_130 = vector.multi_reduction <add>, %max3A_128, %reduce_sum3A_129 [1] : vector<512x256xf32> to vector<512xf32>
    %broadcast_in_dim3A_131 = vector.shape_cast %reduce_sum3A_130 : vector<512xf32> to vector<512x1xf32>
    %div3A_132 = arith.constant 2.560000e+02 : f32
    %div3A_133 = vector.broadcast %div3A_132 : f32 to vector<512x1xf32>
    %div3A_134 = arith.divf %broadcast_in_dim3A_131, %div3A_133 : vector<512x1xf32>
    %jit3A_135 = arith.constant 0 : i32
    %reduce_sum3A_136 = arith.constant dense<0.000000e+00> : vector<512xf32>
    %reduce_sum3A_137 = vector.multi_reduction <add>, %max3A_128, %reduce_sum3A_136 [1] : vector<512x256xf32> to vector<512xf32>
    %broadcast_in_dim3A_138 = vector.shape_cast %reduce_sum3A_137 : vector<512xf32> to vector<512x1xf32>
    %div3A_139 = arith.constant 2.560000e+02 : f32
    %div3A_140 = vector.broadcast %div3A_139 : f32 to vector<512x1xf32>
    %div3A_141 = arith.divf %broadcast_in_dim3A_138, %div3A_140 : vector<512x1xf32>
    %sub3A_142 = vector.broadcast %div3A_141 : vector<512x1xf32> to vector<512x256xf32>
    %sub3A_143 = arith.subf %max3A_128, %sub3A_142 : vector<512x256xf32>
    %square3A_144 = arith.mulf %sub3A_143, %sub3A_143 : vector<512x256xf32>
    %convert_element_type3A_145 = arith.sitofp %jit3A_135 : i32 to f32
    %sub3A_146 = arith.constant 2.560000e+02 : f32
    %sub3A_147 = arith.subf %sub3A_146, %convert_element_type3A_145 : f32
    %reduce_sum3A_148 = arith.constant dense<0.000000e+00> : vector<512xf32>
    %reduce_sum3A_149 = vector.multi_reduction <add>, %square3A_144, %reduce_sum3A_148 [1] : vector<512x256xf32> to vector<512xf32>
    %broadcast_in_dim3A_150 = vector.shape_cast %reduce_sum3A_149 : vector<512xf32> to vector<512x1xf32>
    %div3A_151 = vector.broadcast %sub3A_147 : f32 to vector<512x1xf32>
    %div3A_152 = arith.divf %broadcast_in_dim3A_150, %div3A_151 : vector<512x1xf32>
    %gt3A_153 = arith.constant 0.000000e+00 : f32
    %gt3A_154 = arith.cmpf ogt, %sub3A_147, %gt3A_153 : f32
    %jit3A_155 = arith.constant 0x7FC00000 : f32
    %broadcast_in_dim3A_156 = vector.broadcast %jit3A_155 : f32 to vector<512x1xf32>
    %select_n3A_157 = arith.select %gt3A_154, %div3A_152, %broadcast_in_dim3A_156 : vector<512x1xf32>
    %sub3A_158 = vector.broadcast %div3A_134 : vector<512x1xf32> to vector<512x256xf32>
    %sub3A_159 = arith.subf %max3A_128, %sub3A_158 : vector<512x256xf32>
    %add3A_160 = arith.constant 9.99999974E-6 : f32
    %add3A_161 = vector.broadcast %add3A_160 : f32 to vector<512x1xf32>
    %add3A_162 = arith.addf %select_n3A_157, %add3A_161 : vector<512x1xf32>
    %sqrt3A_163 = math.sqrt %add3A_162 : vector<512x1xf32>
    %div3A_164 = vector.broadcast %sqrt3A_163 : vector<512x1xf32> to vector<512x256xf32>
    %div3A_165 = arith.divf %sub3A_159, %div3A_164 : vector<512x256xf32>
    %mul3A_166 = vector.broadcast %get3A_32 : vector<1x256xf32> to vector<512x256xf32>
    %mul3A_167 = arith.mulf %div3A_165, %mul3A_166 : vector<512x256xf32>
    %add3A_168 = vector.broadcast %get3A_35 : vector<1x256xf32> to vector<512x256xf32>
    %add3A_169 = arith.addf %mul3A_167, %add3A_168 : vector<512x256xf32>
    %convert_element_type3A_170 = arith.truncf %get3A_38 : vector<1x256xf32> to vector<1x256xbf16>
    %convert_element_type3A_171 = arith.truncf %add3A_169 : vector<512x256xf32> to vector<512x256xbf16>
    %dot_general3A_172 = arith.constant dense<0.000000e+00> : vector<1x512xf32>
    %dot_general3A_173 = tpu.matmul %convert_element_type3A_170, %convert_element_type3A_171, %dot_general3A_172 {dimension_numbers = #tpu.dot_dimension_numbers<[1], [1], [0], [0], [0, 0, 1, 0], [], []>, transpose_lhs_hint = false} : vector<1x256xbf16>, vector<512x256xbf16>, vector<1x512xf32> -> vector<1x512xf32>
    %squeeze3A_174 = vector.shape_cast %dot_general3A_173 : vector<1x512xf32> to vector<512xf32>
    %swap3A = arith.constant 0 : index
    %swap3A_175 = arith.constant 0 : index
    %swap3A_176 = arith.constant 0 : index
    %swap3A_177 = vector.load %arg37[%swap3A, %swap3A_175, %swap3A_176] : memref<1x1x512xf32, #tpu.memory_space<vmem>>, vector<1x1x512xf32>
    %swap3A_178 = vector.shape_cast %swap3A_177 : vector<1x1x512xf32> to vector<512xf32>
    %swap3A_179 = vector.shape_cast %squeeze3A_174 : vector<512xf32> to vector<1x1x512xf32>
    tpu.vector_store %arg37[%swap3A, %swap3A_175, %swap3A_176], %swap3A_179 {strides = array<i32>} : memref<1x1x512xf32, #tpu.memory_space<vmem>>, vector<1x1x512xf32>,
    %iota3A = tpu.iota {dimensions = array<i32: 0>} : vector<512x512xi32>
    %iota3A_180 = tpu.iota {dimensions = array<i32: 1>} : vector<512x512xi32>
    %le3A = arith.cmpi sle, %iota3A, %iota3A_180 : vector<512x512xi32>
    %convert_element_type3A_181 = arith.extui %le3A : vector<512x512xi1> to vector<512x512xi32>
    %convert_element_type3A_182 = arith.sitofp %convert_element_type3A_181 : vector<512x512xi32> to vector<512x512xf32>
    %convert_element_type3A_183 = arith.truncf %convert_element_type3A_182 : vector<512x512xf32> to vector<512x512xbf16>
    %convert_element_type3A_184 = arith.truncf %get3A_8 : vector<512x1xf32> to vector<512x1xbf16>
    %dot_general3A_185 = arith.constant dense<0.000000e+00> : vector<1x512xf32>
    %dot_general3A_186 = tpu.matmul %convert_element_type3A_184, %convert_element_type3A_183, %dot_general3A_185 {dimension_numbers = #tpu.dot_dimension_numbers<[0], [0], [1], [1], [0, 1, 1, 1], [], []>, transpose_lhs_hint = false} : vector<512x1xbf16>, vector<512x512xbf16>, vector<1x512xf32> -> vector<1x512xf32>
    %convert_element_type3A_187 = arith.truncf %get3A_8 : vector<512x1xf32> to vector<512x1xbf16>
    %eq3A = arith.cmpi eq, %iota3A, %iota3A_180 : vector<512x512xi32>
    %convert_element_type3A_188 = arith.extui %eq3A : vector<512x512xi1> to vector<512x512xi32>
    %convert_element_type3A_189 = arith.sitofp %convert_element_type3A_188 : vector<512x512xi32> to vector<512x512xf32>
    %convert_element_type3A_190 = arith.truncf %convert_element_type3A_189 : vector<512x512xf32> to vector<512x512xbf16>
    %dot_general3A_191 = arith.constant dense<0.000000e+00> : vector<1x512xf32>
    %dot_general3A_192 = tpu.matmul %convert_element_type3A_187, %convert_element_type3A_190, %dot_general3A_191 {dimension_numbers = #tpu.dot_dimension_numbers<[0], [0], [1], [1], [0, 1, 1, 1], [], []>, transpose_lhs_hint = false} : vector<512x1xbf16>, vector<512x512xbf16>, vector<1x512xf32> -> vector<1x512xf32>
    %sub3A_193 = arith.subf %dot_general3A_186, %dot_general3A_192 : vector<1x512xf32>
    %slice3A_194 = vector.extract_strided_slice %dot_general3A_186 {offsets = [0, 511], sizes = [1, 1], strides = [1, 1]} : vector<1x512xf32> to vector<1x1xf32>
    %squeeze3A_195 = vector.extract %slice3A_194[0, 0] : f32 from vector<1x1xf32>
    %min3A = arith.minimumf %squeeze3A_195, %get3A_17 : f32
    %min3A_196 = vector.broadcast %min3A : f32 to vector<1x512xf32>
    %min3A_197 = arith.minimumf %dot_general3A_186, %min3A_196 : vector<1x512xf32>
    %iota3A_198 = tpu.iota {dimensions = array<i32: 0>} : vector<2048x1xi32>
    %convert_element_type3A_199 = arith.sitofp %iota3A_198 : vector<2048x1xi32> to vector<2048x1xf32>
    %le3A_200 = vector.broadcast %sub3A_193 : vector<1x512xf32> to vector<2048x512xf32>
    %le3A_201 = vector.broadcast %convert_element_type3A_199 : vector<2048x1xf32> to vector<2048x512xf32>
    %le3A_202 = arith.cmpf ole, %le3A_200, %le3A_201 : vector<2048x512xf32>
    %lt3A = vector.broadcast %convert_element_type3A_199 : vector<2048x1xf32> to vector<2048x512xf32>
    %lt3A_203 = vector.broadcast %min3A_197 : vector<1x512xf32> to vector<2048x512xf32>
    %lt3A_204 = arith.cmpf olt, %lt3A, %lt3A_203 : vector<2048x512xf32>
    %and3A = arith.andi %le3A_202, %lt3A_204 : vector<2048x512xi1>
    %convert_element_type3A_205 = arith.extui %and3A : vector<2048x512xi1> to vector<2048x512xi32>
    %convert_element_type3A_206 = arith.sitofp %convert_element_type3A_205 : vector<2048x512xi32> to vector<2048x512xf32>
    %convert_element_type3A_207 = arith.truncf %convert_element_type3A_206 : vector<2048x512xf32> to vector<2048x512xbf16>
    %convert_element_type3A_208 = arith.truncf %get3A_3 : vector<512x256xf32> to vector<512x256xbf16>
    %dot_general3A_209 = arith.constant dense<0.000000e+00> : vector<2048x256xf32>
    %dot_general3A_210 = tpu.matmul %convert_element_type3A_207, %convert_element_type3A_208, %dot_general3A_209 {dimension_numbers = #tpu.dot_dimension_numbers<[1], [0], [0], [1], [0, 0, 1, 1], [], []>, transpose_lhs_hint = false} : vector<2048x512xbf16>, vector<512x256xbf16>, vector<2048x256xf32> -> vector<2048x256xf32>
    %iota3A_211 = tpu.iota {dimensions = array<i32: 1>} : vector<1x2048xi32>
    %convert_element_type3A_212 = arith.sitofp %iota3A_211 : vector<1x2048xi32> to vector<1x2048xf32>
    %squeeze3A_213 = vector.shape_cast %convert_element_type3A_212 : vector<1x2048xf32> to vector<2048xf32>
    %ge3A = vector.broadcast %min3A : f32 to vector<2048xf32>
    %ge3A_214 = arith.cmpf oge, %squeeze3A_213, %ge3A : vector<2048xf32>
    %convert_element_type3A_215 = arith.extui %ge3A_214 : vector<2048xi1> to vector<2048xi32>
    %convert_element_type3A_216 = arith.sitofp %convert_element_type3A_215 : vector<2048xi32> to vector<2048xf32>
    %swap3A_217 = arith.constant 0 : index
    %swap3A_218 = arith.constant 0 : index
    %swap3A_219 = arith.constant 0 : index
    %swap3A_220 = vector.load %arg38[%swap3A_217, %swap3A_218, %swap3A_219] : memref<1x1x2048xf32, #tpu.memory_space<vmem>>, vector<1x1x2048xf32>
    %swap3A_221 = vector.shape_cast %swap3A_220 : vector<1x1x2048xf32> to vector<2048xf32>
    %swap3A_222 = vector.shape_cast %convert_element_type3A_216 : vector<2048xf32> to vector<1x1x2048xf32>
    tpu.vector_store %arg38[%swap3A_217, %swap3A_218, %swap3A_219], %swap3A_222 {strides = array<i32>} : memref<1x1x2048xf32, #tpu.memory_space<vmem>>, vector<1x1x2048xf32>,
    %reshape3A = vector.shape_cast %get3A_13 : vector<1x2048xf32> to vector<2048x1xf32>
    %get3A_223 = arith.constant 0 : index
    %get3A_224 = arith.constant 0 : index
    %get3A_225 = vector.load %arg4[%get3A_223, %get3A_224] : memref<8x256xf32, #tpu.memory_space<vmem>>, vector<1x256xf32>
    %broadcast_in_dim3A_226 = arith.constant -1.000000e+30 : f32
    %broadcast_in_dim3A_227 = vector.broadcast %broadcast_in_dim3A_226 : f32 to vector<1x1xf32>
    %slice3A_228 = vector.extract_strided_slice %get3A_225 {offsets = [0, 0], sizes = [1, 255], strides = [1, 1]} : vector<1x256xf32> to vector<1x255xf32>
    %concatenate3A_229 = tpu.concatenate %broadcast_in_dim3A_227, %slice3A_228 in 1 : vector<1x1xf32>, vector<1x255xf32> -> vector<1x256xf32>
    %lt3A_230 = vector.broadcast %concatenate3A_229 : vector<1x256xf32> to vector<2048x256xf32>
    %lt3A_231 = vector.broadcast %reshape3A : vector<2048x1xf32> to vector<2048x256xf32>
    %lt3A_232 = arith.cmpf olt, %lt3A_230, %lt3A_231 : vector<2048x256xf32>
    %le3A_233 = vector.broadcast %reshape3A : vector<2048x1xf32> to vector<2048x256xf32>
    %le3A_234 = vector.broadcast %get3A_225 : vector<1x256xf32> to vector<2048x256xf32>
    %le3A_235 = arith.cmpf ole, %le3A_233, %le3A_234 : vector<2048x256xf32>
    %and3A_236 = arith.andi %lt3A_232, %le3A_235 : vector<2048x256xi1>
    %convert_element_type3A_237 = arith.extui %and3A_236 : vector<2048x256xi1> to vector<2048x256xi32>
    %convert_element_type3A_238 = arith.sitofp %convert_element_type3A_237 : vector<2048x256xi32> to vector<2048x256xf32>
    %convert_element_type3A_239 = arith.truncf %convert_element_type3A_238 : vector<2048x256xf32> to vector<2048x256xbf16>
    %get3A_240 = arith.constant 0 : index
    %get3A_241 = arith.constant 0 : index
    %get3A_242 = vector.load %arg33[%get3A_240, %get3A_241] : memref<256x512xf32, #tpu.memory_space<vmem>>, vector<256x512xf32>
    %convert_element_type3A_243 = arith.truncf %get3A_242 : vector<256x512xf32> to vector<256x512xbf16>
    %dot_general3A_244 = arith.constant dense<0.000000e+00> : vector<2048x512xf32>
    %dot_general3A_245 = tpu.matmul %convert_element_type3A_239, %convert_element_type3A_243, %dot_general3A_244 {dimension_numbers = #tpu.dot_dimension_numbers<[1], [0], [0], [1], [0, 0, 1, 1], [], []>, transpose_lhs_hint = false} : vector<2048x256xbf16>, vector<256x512xbf16>, vector<2048x512xf32> -> vector<2048x512xf32>
    %slice3A_246 = vector.extract_strided_slice %dot_general3A_245 {offsets = [0, 0], sizes = [2048, 256], strides = [1, 1]} : vector<2048x512xf32> to vector<2048x256xf32>
    %slice3A_247 = vector.extract_strided_slice %dot_general3A_245 {offsets = [0, 256], sizes = [2048, 256], strides = [1, 1]} : vector<2048x512xf32> to vector<2048x256xf32>
    %get3A_248 = arith.constant 0 : index
    %get3A_249 = arith.constant 0 : index
    %get3A_250 = vector.load %arg16[%get3A_248, %get3A_249] : memref<1x256xf32, #tpu.memory_space<vmem>>, vector<1x256xf32>
    %get3A_251 = arith.constant 0 : index
    %get3A_252 = arith.constant 0 : index
    %get3A_253 = vector.load %arg17[%get3A_251, %get3A_252] : memref<1x256xf32, #tpu.memory_space<vmem>>, vector<1x256xf32>
    %get3A_254 = arith.constant 0 : index
    %get3A_255 = arith.constant 0 : index
    %get3A_256 = vector.load %arg18[%get3A_254, %get3A_255] : memref<1x256xf32, #tpu.memory_space<vmem>>, vector<1x256xf32>
    %get3A_257 = arith.constant 0 : index
    %get3A_258 = arith.constant 0 : index
    %get3A_259 = vector.load %arg20[%get3A_257, %get3A_258] : memref<1x256xf32, #tpu.memory_space<vmem>>, vector<1x256xf32>
    %get3A_260 = arith.constant 0 : index
    %get3A_261 = arith.constant 0 : index
    %get3A_262 = vector.load %arg21[%get3A_260, %get3A_261] : memref<1x256xf32, #tpu.memory_space<vmem>>, vector<1x256xf32>
    %get3A_263 = arith.constant 0 : index
    %get3A_264 = arith.constant 0 : index
    %get3A_265 = vector.load %arg22[%get3A_263, %get3A_264] : memref<1x256xf32, #tpu.memory_space<vmem>>, vector<1x256xf32>
    %get3A_266 = arith.constant 0 : index
    %get3A_267 = arith.constant 0 : index
    %get3A_268 = vector.load %arg23[%get3A_266, %get3A_267] : memref<1x256xf32, #tpu.memory_space<vmem>>, vector<1x256xf32>
    %convert_element_type3A_269 = arith.truncf %dot_general3A_210 : vector<2048x256xf32> to vector<2048x256xbf16>
    %get3A_270 = arith.constant 0 : index
    %get3A_271 = arith.constant 0 : index
    %get3A_272 = arith.constant 0 : index
    %get3A_273 = vector.load %arg15[%get3A_270, %get3A_271, %get3A_272] : memref<3x256x256xf32, #tpu.memory_space<vmem>>, vector<3x256x256xf32>
    %convert_element_type3A_274 = arith.truncf %get3A_273 : vector<3x256x256xf32> to vector<3x256x256xbf16>
    %slice3A_275 = vector.extract_strided_slice %convert_element_type3A_274 {offsets = [0, 0, 0], sizes = [1, 256, 256], strides = [1, 1, 1]} : vector<3x256x256xbf16> to vector<1x256x256xbf16>
    %squeeze3A_276 = vector.shape_cast %slice3A_275 : vector<1x256x256xbf16> to vector<256x256xbf16>
    %dot_general3A_277 = arith.constant dense<0.000000e+00> : vector<2048x256xf32>
    %dot_general3A_278 = tpu.matmul %convert_element_type3A_269, %squeeze3A_276, %dot_general3A_277 {dimension_numbers = #tpu.dot_dimension_numbers<[1], [1], [0], [0], [0, 0, 1, 0], [], []>, transpose_lhs_hint = false} : vector<2048x256xbf16>, vector<256x256xbf16>, vector<2048x256xf32> -> vector<2048x256xf32>
    %broadcast_in_dim3A_279 = arith.constant 0.000000e+00 : f32
    %broadcast_in_dim3A_280 = vector.broadcast %broadcast_in_dim3A_279 : f32 to vector<1x256xf32>
    %slice3A_281 = vector.extract_strided_slice %dot_general3A_278 {offsets = [0, 0], sizes = [2047, 256], strides = [1, 1]} : vector<2048x256xf32> to vector<2047x256xf32>
    %concatenate3A_282 = tpu.concatenate %broadcast_in_dim3A_280, %slice3A_281 in 0 : vector<1x256xf32>, vector<2047x256xf32> -> vector<2048x256xf32>
    %slice3A_283 = vector.extract_strided_slice %convert_element_type3A_274 {offsets = [1, 0, 0], sizes = [1, 256, 256], strides = [1, 1, 1]} : vector<3x256x256xbf16> to vector<1x256x256xbf16>
    %squeeze3A_284 = vector.shape_cast %slice3A_283 : vector<1x256x256xbf16> to vector<256x256xbf16>
    %dot_general3A_285 = arith.constant dense<0.000000e+00> : vector<2048x256xf32>
    %dot_general3A_286 = tpu.matmul %convert_element_type3A_269, %squeeze3A_284, %dot_general3A_285 {dimension_numbers = #tpu.dot_dimension_numbers<[1], [1], [0], [0], [0, 0, 1, 0], [], []>, transpose_lhs_hint = false} : vector<2048x256xbf16>, vector<256x256xbf16>, vector<2048x256xf32> -> vector<2048x256xf32>
    %add3A_287 = arith.addf %concatenate3A_282, %dot_general3A_286 : vector<2048x256xf32>
    %slice3A_288 = vector.extract_strided_slice %convert_element_type3A_274 {offsets = [2, 0, 0], sizes = [1, 256, 256], strides = [1, 1, 1]} : vector<3x256x256xbf16> to vector<1x256x256xbf16>
    %squeeze3A_289 = vector.shape_cast %slice3A_288 : vector<1x256x256xbf16> to vector<256x256xbf16>
    %dot_general3A_290 = arith.constant dense<0.000000e+00> : vector<2048x256xf32>
    %dot_general3A_291 = tpu.matmul %convert_element_type3A_269, %squeeze3A_289, %dot_general3A_290 {dimension_numbers = #tpu.dot_dimension_numbers<[1], [1], [0], [0], [0, 0, 1, 0], [], []>, transpose_lhs_hint = false} : vector<2048x256xbf16>, vector<256x256xbf16>, vector<2048x256xf32> -> vector<2048x256xf32>
    %broadcast_in_dim3A_292 = arith.constant 0.000000e+00 : f32
    %broadcast_in_dim3A_293 = vector.broadcast %broadcast_in_dim3A_292 : f32 to vector<1x256xf32>
    %slice3A_294 = vector.extract_strided_slice %dot_general3A_291 {offsets = [1, 0], sizes = [2047, 256], strides = [1, 1]} : vector<2048x256xf32> to vector<2047x256xf32>
    %concatenate3A_295 = tpu.concatenate %slice3A_294, %broadcast_in_dim3A_293 in 0 : vector<2047x256xf32>, vector<1x256xf32> -> vector<2048x256xf32>
    %add3A_296 = arith.addf %add3A_287, %concatenate3A_295 : vector<2048x256xf32>
    %add3A_297 = vector.broadcast %get3A_250 : vector<1x256xf32> to vector<2048x256xf32>
    %add3A_298 = arith.addf %add3A_296, %add3A_297 : vector<2048x256xf32>
    %max3A_299 = arith.constant 0.000000e+00 : f32
    %max3A_300 = vector.broadcast %max3A_299 : f32 to vector<2048x256xf32>
    %max3A_301 = arith.maximumf %add3A_298, %max3A_300 : vector<2048x256xf32>
    %reduce_sum3A_302 = arith.constant dense<0.000000e+00> : vector<2048xf32>
    %reduce_sum3A_303 = vector.multi_reduction <add>, %max3A_301, %reduce_sum3A_302 [1] : vector<2048x256xf32> to vector<2048xf32>
    %broadcast_in_dim3A_304 = vector.shape_cast %reduce_sum3A_303 : vector<2048xf32> to vector<2048x1xf32>
    %div3A_305 = arith.constant 2.560000e+02 : f32
    %div3A_306 = vector.broadcast %div3A_305 : f32 to vector<2048x1xf32>
    %div3A_307 = arith.divf %broadcast_in_dim3A_304, %div3A_306 : vector<2048x1xf32>
    %jit3A_308 = arith.constant 0 : i32
    %reduce_sum3A_309 = arith.constant dense<0.000000e+00> : vector<2048xf32>
    %reduce_sum3A_310 = vector.multi_reduction <add>, %max3A_301, %reduce_sum3A_309 [1] : vector<2048x256xf32> to vector<2048xf32>
    %broadcast_in_dim3A_311 = vector.shape_cast %reduce_sum3A_310 : vector<2048xf32> to vector<2048x1xf32>
    %div3A_312 = arith.constant 2.560000e+02 : f32
    %div3A_313 = vector.broadcast %div3A_312 : f32 to vector<2048x1xf32>
    %div3A_314 = arith.divf %broadcast_in_dim3A_311, %div3A_313 : vector<2048x1xf32>
    %sub3A_315 = vector.broadcast %div3A_314 : vector<2048x1xf32> to vector<2048x256xf32>
    %sub3A_316 = arith.subf %max3A_301, %sub3A_315 : vector<2048x256xf32>
    %square3A_317 = arith.mulf %sub3A_316, %sub3A_316 : vector<2048x256xf32>
    %convert_element_type3A_318 = arith.sitofp %jit3A_308 : i32 to f32
    %sub3A_319 = arith.constant 2.560000e+02 : f32
    %sub3A_320 = arith.subf %sub3A_319, %convert_element_type3A_318 : f32
    %reduce_sum3A_321 = arith.constant dense<0.000000e+00> : vector<2048xf32>
    %reduce_sum3A_322 = vector.multi_reduction <add>, %square3A_317, %reduce_sum3A_321 [1] : vector<2048x256xf32> to vector<2048xf32>
    %broadcast_in_dim3A_323 = vector.shape_cast %reduce_sum3A_322 : vector<2048xf32> to vector<2048x1xf32>
    %div3A_324 = vector.broadcast %sub3A_320 : f32 to vector<2048x1xf32>
    %div3A_325 = arith.divf %broadcast_in_dim3A_323, %div3A_324 : vector<2048x1xf32>
    %gt3A_326 = arith.constant 0.000000e+00 : f32
    %gt3A_327 = arith.cmpf ogt, %sub3A_320, %gt3A_326 : f32
    %jit3A_328 = arith.constant 0x7FC00000 : f32
    %broadcast_in_dim3A_329 = vector.broadcast %jit3A_328 : f32 to vector<2048x1xf32>
    %select_n3A_330 = arith.select %gt3A_327, %div3A_325, %broadcast_in_dim3A_329 : vector<2048x1xf32>
    %sub3A_331 = vector.broadcast %div3A_307 : vector<2048x1xf32> to vector<2048x256xf32>
    %sub3A_332 = arith.subf %max3A_301, %sub3A_331 : vector<2048x256xf32>
    %add3A_333 = arith.constant 9.99999974E-6 : f32
    %add3A_334 = vector.broadcast %add3A_333 : f32 to vector<2048x1xf32>
    %add3A_335 = arith.addf %select_n3A_330, %add3A_334 : vector<2048x1xf32>
    %sqrt3A_336 = math.sqrt %add3A_335 : vector<2048x1xf32>
    %div3A_337 = vector.broadcast %sqrt3A_336 : vector<2048x1xf32> to vector<2048x256xf32>
    %div3A_338 = arith.divf %sub3A_332, %div3A_337 : vector<2048x256xf32>
    %mul3A_339 = vector.broadcast %get3A_253 : vector<1x256xf32> to vector<2048x256xf32>
    %mul3A_340 = arith.mulf %div3A_338, %mul3A_339 : vector<2048x256xf32>
    %add3A_341 = vector.broadcast %get3A_256 : vector<1x256xf32> to vector<2048x256xf32>
    %add3A_342 = arith.addf %mul3A_340, %add3A_341 : vector<2048x256xf32>
    %convert_element_type3A_343 = arith.truncf %add3A_342 : vector<2048x256xf32> to vector<2048x256xbf16>
    %get3A_344 = arith.constant 0 : index
    %get3A_345 = arith.constant 0 : index
    %get3A_346 = arith.constant 0 : index
    %get3A_347 = vector.load %arg19[%get3A_344, %get3A_345, %get3A_346] : memref<3x256x256xf32, #tpu.memory_space<vmem>>, vector<3x256x256xf32>
    %convert_element_type3A_348 = arith.truncf %get3A_347 : vector<3x256x256xf32> to vector<3x256x256xbf16>
    %slice3A_349 = vector.extract_strided_slice %convert_element_type3A_348 {offsets = [0, 0, 0], sizes = [1, 256, 256], strides = [1, 1, 1]} : vector<3x256x256xbf16> to vector<1x256x256xbf16>
    %squeeze3A_350 = vector.shape_cast %slice3A_349 : vector<1x256x256xbf16> to vector<256x256xbf16>
    %dot_general3A_351 = arith.constant dense<0.000000e+00> : vector<2048x256xf32>
    %dot_general3A_352 = tpu.matmul %convert_element_type3A_343, %squeeze3A_350, %dot_general3A_351 {dimension_numbers = #tpu.dot_dimension_numbers<[1], [1], [0], [0], [0, 0, 1, 0], [], []>, transpose_lhs_hint = false} : vector<2048x256xbf16>, vector<256x256xbf16>, vector<2048x256xf32> -> vector<2048x256xf32>
    %broadcast_in_dim3A_353 = arith.constant 0.000000e+00 : f32
    %broadcast_in_dim3A_354 = vector.broadcast %broadcast_in_dim3A_353 : f32 to vector<1x256xf32>
    %slice3A_355 = vector.extract_strided_slice %dot_general3A_352 {offsets = [0, 0], sizes = [2047, 256], strides = [1, 1]} : vector<2048x256xf32> to vector<2047x256xf32>
    %concatenate3A_356 = tpu.concatenate %broadcast_in_dim3A_354, %slice3A_355 in 0 : vector<1x256xf32>, vector<2047x256xf32> -> vector<2048x256xf32>
    %slice3A_357 = vector.extract_strided_slice %convert_element_type3A_348 {offsets = [1, 0, 0], sizes = [1, 256, 256], strides = [1, 1, 1]} : vector<3x256x256xbf16> to vector<1x256x256xbf16>
    %squeeze3A_358 = vector.shape_cast %slice3A_357 : vector<1x256x256xbf16> to vector<256x256xbf16>
    %dot_general3A_359 = arith.constant dense<0.000000e+00> : vector<2048x256xf32>
    %dot_general3A_360 = tpu.matmul %convert_element_type3A_343, %squeeze3A_358, %dot_general3A_359 {dimension_numbers = #tpu.dot_dimension_numbers<[1], [1], [0], [0], [0, 0, 1, 0], [], []>, transpose_lhs_hint = false} : vector<2048x256xbf16>, vector<256x256xbf16>, vector<2048x256xf32> -> vector<2048x256xf32>
    %add3A_361 = arith.addf %concatenate3A_356, %dot_general3A_360 : vector<2048x256xf32>
    %slice3A_362 = vector.extract_strided_slice %convert_element_type3A_348 {offsets = [2, 0, 0], sizes = [1, 256, 256], strides = [1, 1, 1]} : vector<3x256x256xbf16> to vector<1x256x256xbf16>
    %squeeze3A_363 = vector.shape_cast %slice3A_362 : vector<1x256x256xbf16> to vector<256x256xbf16>
    %dot_general3A_364 = arith.constant dense<0.000000e+00> : vector<2048x256xf32>
    %dot_general3A_365 = tpu.matmul %convert_element_type3A_343, %squeeze3A_363, %dot_general3A_364 {dimension_numbers = #tpu.dot_dimension_numbers<[1], [1], [0], [0], [0, 0, 1, 0], [], []>, transpose_lhs_hint = false} : vector<2048x256xbf16>, vector<256x256xbf16>, vector<2048x256xf32> -> vector<2048x256xf32>
    %broadcast_in_dim3A_366 = arith.constant 0.000000e+00 : f32
    %broadcast_in_dim3A_367 = vector.broadcast %broadcast_in_dim3A_366 : f32 to vector<1x256xf32>
    %slice3A_368 = vector.extract_strided_slice %dot_general3A_365 {offsets = [1, 0], sizes = [2047, 256], strides = [1, 1]} : vector<2048x256xf32> to vector<2047x256xf32>
    %concatenate3A_369 = tpu.concatenate %slice3A_368, %broadcast_in_dim3A_367 in 0 : vector<2047x256xf32>, vector<1x256xf32> -> vector<2048x256xf32>
    %add3A_370 = arith.addf %add3A_361, %concatenate3A_369 : vector<2048x256xf32>
    %add3A_371 = vector.broadcast %get3A_259 : vector<1x256xf32> to vector<2048x256xf32>
    %add3A_372 = arith.addf %add3A_370, %add3A_371 : vector<2048x256xf32>
    %max3A_373 = arith.constant 0.000000e+00 : f32
    %max3A_374 = vector.broadcast %max3A_373 : f32 to vector<2048x256xf32>
    %max3A_375 = arith.maximumf %add3A_372, %max3A_374 : vector<2048x256xf32>
    %reduce_sum3A_376 = arith.constant dense<0.000000e+00> : vector<2048xf32>
    %reduce_sum3A_377 = vector.multi_reduction <add>, %max3A_375, %reduce_sum3A_376 [1] : vector<2048x256xf32> to vector<2048xf32>
    %broadcast_in_dim3A_378 = vector.shape_cast %reduce_sum3A_377 : vector<2048xf32> to vector<2048x1xf32>
    %div3A_379 = arith.constant 2.560000e+02 : f32
    %div3A_380 = vector.broadcast %div3A_379 : f32 to vector<2048x1xf32>
    %div3A_381 = arith.divf %broadcast_in_dim3A_378, %div3A_380 : vector<2048x1xf32>
    %jit3A_382 = arith.constant 0 : i32
    %reduce_sum3A_383 = arith.constant dense<0.000000e+00> : vector<2048xf32>
    %reduce_sum3A_384 = vector.multi_reduction <add>, %max3A_375, %reduce_sum3A_383 [1] : vector<2048x256xf32> to vector<2048xf32>
    %broadcast_in_dim3A_385 = vector.shape_cast %reduce_sum3A_384 : vector<2048xf32> to vector<2048x1xf32>
    %div3A_386 = arith.constant 2.560000e+02 : f32
    %div3A_387 = vector.broadcast %div3A_386 : f32 to vector<2048x1xf32>
    %div3A_388 = arith.divf %broadcast_in_dim3A_385, %div3A_387 : vector<2048x1xf32>
    %sub3A_389 = vector.broadcast %div3A_388 : vector<2048x1xf32> to vector<2048x256xf32>
    %sub3A_390 = arith.subf %max3A_375, %sub3A_389 : vector<2048x256xf32>
    %square3A_391 = arith.mulf %sub3A_390, %sub3A_390 : vector<2048x256xf32>
    %convert_element_type3A_392 = arith.sitofp %jit3A_382 : i32 to f32
    %sub3A_393 = arith.constant 2.560000e+02 : f32
    %sub3A_394 = arith.subf %sub3A_393, %convert_element_type3A_392 : f32
    %reduce_sum3A_395 = arith.constant dense<0.000000e+00> : vector<2048xf32>
    %reduce_sum3A_396 = vector.multi_reduction <add>, %square3A_391, %reduce_sum3A_395 [1] : vector<2048x256xf32> to vector<2048xf32>
    %broadcast_in_dim3A_397 = vector.shape_cast %reduce_sum3A_396 : vector<2048xf32> to vector<2048x1xf32>
    %div3A_398 = vector.broadcast %sub3A_394 : f32 to vector<2048x1xf32>
    %div3A_399 = arith.divf %broadcast_in_dim3A_397, %div3A_398 : vector<2048x1xf32>
    %gt3A_400 = arith.constant 0.000000e+00 : f32
    %gt3A_401 = arith.cmpf ogt, %sub3A_394, %gt3A_400 : f32
    %jit3A_402 = arith.constant 0x7FC00000 : f32
    %broadcast_in_dim3A_403 = vector.broadcast %jit3A_402 : f32 to vector<2048x1xf32>
    %select_n3A_404 = arith.select %gt3A_401, %div3A_399, %broadcast_in_dim3A_403 : vector<2048x1xf32>
    %sub3A_405 = vector.broadcast %div3A_381 : vector<2048x1xf32> to vector<2048x256xf32>
    %sub3A_406 = arith.subf %max3A_375, %sub3A_405 : vector<2048x256xf32>
    %add3A_407 = arith.constant 9.99999974E-6 : f32
    %add3A_408 = vector.broadcast %add3A_407 : f32 to vector<2048x1xf32>
    %add3A_409 = arith.addf %select_n3A_404, %add3A_408 : vector<2048x1xf32>
    %sqrt3A_410 = math.sqrt %add3A_409 : vector<2048x1xf32>
    %div3A_411 = vector.broadcast %sqrt3A_410 : vector<2048x1xf32> to vector<2048x256xf32>
    %div3A_412 = arith.divf %sub3A_406, %div3A_411 : vector<2048x256xf32>
    %mul3A_413 = vector.broadcast %get3A_262 : vector<1x256xf32> to vector<2048x256xf32>
    %mul3A_414 = arith.mulf %div3A_412, %mul3A_413 : vector<2048x256xf32>
    %add3A_415 = vector.broadcast %get3A_265 : vector<1x256xf32> to vector<2048x256xf32>
    %add3A_416 = arith.addf %mul3A_414, %add3A_415 : vector<2048x256xf32>
    %convert_element_type3A_417 = arith.truncf %get3A_268 : vector<1x256xf32> to vector<1x256xbf16>
    %convert_element_type3A_418 = arith.truncf %add3A_416 : vector<2048x256xf32> to vector<2048x256xbf16>
    %dot_general3A_419 = arith.constant dense<0.000000e+00> : vector<1x2048xf32>
    %dot_general3A_420 = tpu.matmul %convert_element_type3A_417, %convert_element_type3A_418, %dot_general3A_419 {dimension_numbers = #tpu.dot_dimension_numbers<[1], [1], [0], [0], [0, 0, 1, 0], [], []>, transpose_lhs_hint = false} : vector<1x256xbf16>, vector<2048x256xbf16>, vector<1x2048xf32> -> vector<1x2048xf32>
    %squeeze3A_421 = vector.shape_cast %dot_general3A_420 : vector<1x2048xf32> to vector<2048xf32>
    %swap3A_422 = arith.constant 0 : index
    %swap3A_423 = arith.constant 0 : index
    %swap3A_424 = arith.constant 0 : index
    %swap3A_425 = vector.load %arg35[%swap3A_422, %swap3A_423, %swap3A_424] : memref<1x1x2048xf32, #tpu.memory_space<vmem>>, vector<1x1x2048xf32>
    %swap3A_426 = vector.shape_cast %swap3A_425 : vector<1x1x2048xf32> to vector<2048xf32>
    %swap3A_427 = vector.shape_cast %squeeze3A_421 : vector<2048xf32> to vector<1x1x2048xf32>
    tpu.vector_store %arg35[%swap3A_422, %swap3A_423, %swap3A_424], %swap3A_427 {strides = array<i32>} : memref<1x1x2048xf32, #tpu.memory_space<vmem>>, vector<1x1x2048xf32>,
    %add3A_428 = arith.addf %dot_general3A_210, %slice3A_246 : vector<2048x256xf32>
    %get3A_429 = arith.constant 0 : index
    %get3A_430 = arith.constant 0 : index
    %get3A_431 = vector.load %arg25[%get3A_429, %get3A_430] : memref<1x256xf32, #tpu.memory_space<vmem>>, vector<1x256xf32>
    %get3A_432 = arith.constant 0 : index
    %get3A_433 = arith.constant 0 : index
    %get3A_434 = vector.load %arg26[%get3A_432, %get3A_433] : memref<1x256xf32, #tpu.memory_space<vmem>>, vector<1x256xf32>
    %get3A_435 = arith.constant 0 : index
    %get3A_436 = arith.constant 0 : index
    %get3A_437 = vector.load %arg27[%get3A_435, %get3A_436] : memref<1x256xf32, #tpu.memory_space<vmem>>, vector<1x256xf32>
    %get3A_438 = arith.constant 0 : index
    %get3A_439 = arith.constant 0 : index
    %get3A_440 = vector.load %arg29[%get3A_438, %get3A_439] : memref<1x256xf32, #tpu.memory_space<vmem>>, vector<1x256xf32>
    %get3A_441 = arith.constant 0 : index
    %get3A_442 = arith.constant 0 : index
    %get3A_443 = vector.load %arg30[%get3A_441, %get3A_442] : memref<1x256xf32, #tpu.memory_space<vmem>>, vector<1x256xf32>
    %get3A_444 = arith.constant 0 : index
    %get3A_445 = arith.constant 0 : index
    %get3A_446 = vector.load %arg31[%get3A_444, %get3A_445] : memref<1x256xf32, #tpu.memory_space<vmem>>, vector<1x256xf32>
    %get3A_447 = arith.constant 0 : index
    %get3A_448 = arith.constant 0 : index
    %get3A_449 = vector.load %arg32[%get3A_447, %get3A_448] : memref<1x256xf32, #tpu.memory_space<vmem>>, vector<1x256xf32>
    %convert_element_type3A_450 = arith.truncf %add3A_428 : vector<2048x256xf32> to vector<2048x256xbf16>
    %get3A_451 = arith.constant 0 : index
    %get3A_452 = arith.constant 0 : index
    %get3A_453 = arith.constant 0 : index
    %get3A_454 = vector.load %arg24[%get3A_451, %get3A_452, %get3A_453] : memref<3x256x256xf32, #tpu.memory_space<vmem>>, vector<3x256x256xf32>
    %convert_element_type3A_455 = arith.truncf %get3A_454 : vector<3x256x256xf32> to vector<3x256x256xbf16>
    %slice3A_456 = vector.extract_strided_slice %convert_element_type3A_455 {offsets = [0, 0, 0], sizes = [1, 256, 256], strides = [1, 1, 1]} : vector<3x256x256xbf16> to vector<1x256x256xbf16>
    %squeeze3A_457 = vector.shape_cast %slice3A_456 : vector<1x256x256xbf16> to vector<256x256xbf16>
    %dot_general3A_458 = arith.constant dense<0.000000e+00> : vector<2048x256xf32>
    %dot_general3A_459 = tpu.matmul %convert_element_type3A_450, %squeeze3A_457, %dot_general3A_458 {dimension_numbers = #tpu.dot_dimension_numbers<[1], [1], [0], [0], [0, 0, 1, 0], [], []>, transpose_lhs_hint = false} : vector<2048x256xbf16>, vector<256x256xbf16>, vector<2048x256xf32> -> vector<2048x256xf32>
    %broadcast_in_dim3A_460 = arith.constant 0.000000e+00 : f32
    %broadcast_in_dim3A_461 = vector.broadcast %broadcast_in_dim3A_460 : f32 to vector<1x256xf32>
    %slice3A_462 = vector.extract_strided_slice %dot_general3A_459 {offsets = [0, 0], sizes = [2047, 256], strides = [1, 1]} : vector<2048x256xf32> to vector<2047x256xf32>
    %concatenate3A_463 = tpu.concatenate %broadcast_in_dim3A_461, %slice3A_462 in 0 : vector<1x256xf32>, vector<2047x256xf32> -> vector<2048x256xf32>
    %slice3A_464 = vector.extract_strided_slice %convert_element_type3A_455 {offsets = [1, 0, 0], sizes = [1, 256, 256], strides = [1, 1, 1]} : vector<3x256x256xbf16> to vector<1x256x256xbf16>
    %squeeze3A_465 = vector.shape_cast %slice3A_464 : vector<1x256x256xbf16> to vector<256x256xbf16>
    %dot_general3A_466 = arith.constant dense<0.000000e+00> : vector<2048x256xf32>
    %dot_general3A_467 = tpu.matmul %convert_element_type3A_450, %squeeze3A_465, %dot_general3A_466 {dimension_numbers = #tpu.dot_dimension_numbers<[1], [1], [0], [0], [0, 0, 1, 0], [], []>, transpose_lhs_hint = false} : vector<2048x256xbf16>, vector<256x256xbf16>, vector<2048x256xf32> -> vector<2048x256xf32>
    %add3A_468 = arith.addf %concatenate3A_463, %dot_general3A_467 : vector<2048x256xf32>
    %slice3A_469 = vector.extract_strided_slice %convert_element_type3A_455 {offsets = [2, 0, 0], sizes = [1, 256, 256], strides = [1, 1, 1]} : vector<3x256x256xbf16> to vector<1x256x256xbf16>
    %squeeze3A_470 = vector.shape_cast %slice3A_469 : vector<1x256x256xbf16> to vector<256x256xbf16>
    %dot_general3A_471 = arith.constant dense<0.000000e+00> : vector<2048x256xf32>
    %dot_general3A_472 = tpu.matmul %convert_element_type3A_450, %squeeze3A_470, %dot_general3A_471 {dimension_numbers = #tpu.dot_dimension_numbers<[1], [1], [0], [0], [0, 0, 1, 0], [], []>, transpose_lhs_hint = false} : vector<2048x256xbf16>, vector<256x256xbf16>, vector<2048x256xf32> -> vector<2048x256xf32>
    %broadcast_in_dim3A_473 = arith.constant 0.000000e+00 : f32
    %broadcast_in_dim3A_474 = vector.broadcast %broadcast_in_dim3A_473 : f32 to vector<1x256xf32>
    %slice3A_475 = vector.extract_strided_slice %dot_general3A_472 {offsets = [1, 0], sizes = [2047, 256], strides = [1, 1]} : vector<2048x256xf32> to vector<2047x256xf32>
    %concatenate3A_476 = tpu.concatenate %slice3A_475, %broadcast_in_dim3A_474 in 0 : vector<2047x256xf32>, vector<1x256xf32> -> vector<2048x256xf32>
    %add3A_477 = arith.addf %add3A_468, %concatenate3A_476 : vector<2048x256xf32>
    %add3A_478 = vector.broadcast %get3A_431 : vector<1x256xf32> to vector<2048x256xf32>
    %add3A_479 = arith.addf %add3A_477, %add3A_478 : vector<2048x256xf32>
    %max3A_480 = arith.constant 0.000000e+00 : f32
    %max3A_481 = vector.broadcast %max3A_480 : f32 to vector<2048x256xf32>
    %max3A_482 = arith.maximumf %add3A_479, %max3A_481 : vector<2048x256xf32>
    %reduce_sum3A_483 = arith.constant dense<0.000000e+00> : vector<2048xf32>
    %reduce_sum3A_484 = vector.multi_reduction <add>, %max3A_482, %reduce_sum3A_483 [1] : vector<2048x256xf32> to vector<2048xf32>
    %broadcast_in_dim3A_485 = vector.shape_cast %reduce_sum3A_484 : vector<2048xf32> to vector<2048x1xf32>
    %div3A_486 = arith.constant 2.560000e+02 : f32
    %div3A_487 = vector.broadcast %div3A_486 : f32 to vector<2048x1xf32>
    %div3A_488 = arith.divf %broadcast_in_dim3A_485, %div3A_487 : vector<2048x1xf32>
    %jit3A_489 = arith.constant 0 : i32
    %reduce_sum3A_490 = arith.constant dense<0.000000e+00> : vector<2048xf32>
    %reduce_sum3A_491 = vector.multi_reduction <add>, %max3A_482, %reduce_sum3A_490 [1] : vector<2048x256xf32> to vector<2048xf32>
    %broadcast_in_dim3A_492 = vector.shape_cast %reduce_sum3A_491 : vector<2048xf32> to vector<2048x1xf32>
    %div3A_493 = arith.constant 2.560000e+02 : f32
    %div3A_494 = vector.broadcast %div3A_493 : f32 to vector<2048x1xf32>
    %div3A_495 = arith.divf %broadcast_in_dim3A_492, %div3A_494 : vector<2048x1xf32>
    %sub3A_496 = vector.broadcast %div3A_495 : vector<2048x1xf32> to vector<2048x256xf32>
    %sub3A_497 = arith.subf %max3A_482, %sub3A_496 : vector<2048x256xf32>
    %square3A_498 = arith.mulf %sub3A_497, %sub3A_497 : vector<2048x256xf32>
    %convert_element_type3A_499 = arith.sitofp %jit3A_489 : i32 to f32
    %sub3A_500 = arith.constant 2.560000e+02 : f32
    %sub3A_501 = arith.subf %sub3A_500, %convert_element_type3A_499 : f32
    %reduce_sum3A_502 = arith.constant dense<0.000000e+00> : vector<2048xf32>
    %reduce_sum3A_503 = vector.multi_reduction <add>, %square3A_498, %reduce_sum3A_502 [1] : vector<2048x256xf32> to vector<2048xf32>
    %broadcast_in_dim3A_504 = vector.shape_cast %reduce_sum3A_503 : vector<2048xf32> to vector<2048x1xf32>
    %div3A_505 = vector.broadcast %sub3A_501 : f32 to vector<2048x1xf32>
    %div3A_506 = arith.divf %broadcast_in_dim3A_504, %div3A_505 : vector<2048x1xf32>
    %gt3A_507 = arith.constant 0.000000e+00 : f32
    %gt3A_508 = arith.cmpf ogt, %sub3A_501, %gt3A_507 : f32
    %jit3A_509 = arith.constant 0x7FC00000 : f32
    %broadcast_in_dim3A_510 = vector.broadcast %jit3A_509 : f32 to vector<2048x1xf32>
    %select_n3A_511 = arith.select %gt3A_508, %div3A_506, %broadcast_in_dim3A_510 : vector<2048x1xf32>
    %sub3A_512 = vector.broadcast %div3A_488 : vector<2048x1xf32> to vector<2048x256xf32>
    %sub3A_513 = arith.subf %max3A_482, %sub3A_512 : vector<2048x256xf32>
    %add3A_514 = arith.constant 9.99999974E-6 : f32
    %add3A_515 = vector.broadcast %add3A_514 : f32 to vector<2048x1xf32>
    %add3A_516 = arith.addf %select_n3A_511, %add3A_515 : vector<2048x1xf32>
    %sqrt3A_517 = math.sqrt %add3A_516 : vector<2048x1xf32>
    %div3A_518 = vector.broadcast %sqrt3A_517 : vector<2048x1xf32> to vector<2048x256xf32>
    %div3A_519 = arith.divf %sub3A_513, %div3A_518 : vector<2048x256xf32>
    %mul3A_520 = vector.broadcast %get3A_434 : vector<1x256xf32> to vector<2048x256xf32>
    %mul3A_521 = arith.mulf %div3A_519, %mul3A_520 : vector<2048x256xf32>
    %add3A_522 = vector.broadcast %get3A_437 : vector<1x256xf32> to vector<2048x256xf32>
    %add3A_523 = arith.addf %mul3A_521, %add3A_522 : vector<2048x256xf32>
    %convert_element_type3A_524 = arith.truncf %add3A_523 : vector<2048x256xf32> to vector<2048x256xbf16>
    %get3A_525 = arith.constant 0 : index
    %get3A_526 = arith.constant 0 : index
    %get3A_527 = arith.constant 0 : index
    %get3A_528 = vector.load %arg28[%get3A_525, %get3A_526, %get3A_527] : memref<3x256x256xf32, #tpu.memory_space<vmem>>, vector<3x256x256xf32>
    %convert_element_type3A_529 = arith.truncf %get3A_528 : vector<3x256x256xf32> to vector<3x256x256xbf16>
    %slice3A_530 = vector.extract_strided_slice %convert_element_type3A_529 {offsets = [0, 0, 0], sizes = [1, 256, 256], strides = [1, 1, 1]} : vector<3x256x256xbf16> to vector<1x256x256xbf16>
    %squeeze3A_531 = vector.shape_cast %slice3A_530 : vector<1x256x256xbf16> to vector<256x256xbf16>
    %dot_general3A_532 = arith.constant dense<0.000000e+00> : vector<2048x256xf32>
    %dot_general3A_533 = tpu.matmul %convert_element_type3A_524, %squeeze3A_531, %dot_general3A_532 {dimension_numbers = #tpu.dot_dimension_numbers<[1], [1], [0], [0], [0, 0, 1, 0], [], []>, transpose_lhs_hint = false} : vector<2048x256xbf16>, vector<256x256xbf16>, vector<2048x256xf32> -> vector<2048x256xf32>
    %broadcast_in_dim3A_534 = arith.constant 0.000000e+00 : f32
    %broadcast_in_dim3A_535 = vector.broadcast %broadcast_in_dim3A_534 : f32 to vector<1x256xf32>
    %slice3A_536 = vector.extract_strided_slice %dot_general3A_533 {offsets = [0, 0], sizes = [2047, 256], strides = [1, 1]} : vector<2048x256xf32> to vector<2047x256xf32>
    %concatenate3A_537 = tpu.concatenate %broadcast_in_dim3A_535, %slice3A_536 in 0 : vector<1x256xf32>, vector<2047x256xf32> -> vector<2048x256xf32>
    %slice3A_538 = vector.extract_strided_slice %convert_element_type3A_529 {offsets = [1, 0, 0], sizes = [1, 256, 256], strides = [1, 1, 1]} : vector<3x256x256xbf16> to vector<1x256x256xbf16>
    %squeeze3A_539 = vector.shape_cast %slice3A_538 : vector<1x256x256xbf16> to vector<256x256xbf16>
    %dot_general3A_540 = arith.constant dense<0.000000e+00> : vector<2048x256xf32>
    %dot_general3A_541 = tpu.matmul %convert_element_type3A_524, %squeeze3A_539, %dot_general3A_540 {dimension_numbers = #tpu.dot_dimension_numbers<[1], [1], [0], [0], [0, 0, 1, 0], [], []>, transpose_lhs_hint = false} : vector<2048x256xbf16>, vector<256x256xbf16>, vector<2048x256xf32> -> vector<2048x256xf32>
    %add3A_542 = arith.addf %concatenate3A_537, %dot_general3A_541 : vector<2048x256xf32>
    %slice3A_543 = vector.extract_strided_slice %convert_element_type3A_529 {offsets = [2, 0, 0], sizes = [1, 256, 256], strides = [1, 1, 1]} : vector<3x256x256xbf16> to vector<1x256x256xbf16>
    %squeeze3A_544 = vector.shape_cast %slice3A_543 : vector<1x256x256xbf16> to vector<256x256xbf16>
    %dot_general3A_545 = arith.constant dense<0.000000e+00> : vector<2048x256xf32>
    %dot_general3A_546 = tpu.matmul %convert_element_type3A_524, %squeeze3A_544, %dot_general3A_545 {dimension_numbers = #tpu.dot_dimension_numbers<[1], [1], [0], [0], [0, 0, 1, 0], [], []>, transpose_lhs_hint = false} : vector<2048x256xbf16>, vector<256x256xbf16>, vector<2048x256xf32> -> vector<2048x256xf32>
    %broadcast_in_dim3A_547 = arith.constant 0.000000e+00 : f32
    %broadcast_in_dim3A_548 = vector.broadcast %broadcast_in_dim3A_547 : f32 to vector<1x256xf32>
    %slice3A_549 = vector.extract_strided_slice %dot_general3A_546 {offsets = [1, 0], sizes = [2047, 256], strides = [1, 1]} : vector<2048x256xf32> to vector<2047x256xf32>
    %concatenate3A_550 = tpu.concatenate %slice3A_549, %broadcast_in_dim3A_548 in 0 : vector<2047x256xf32>, vector<1x256xf32> -> vector<2048x256xf32>
    %add3A_551 = arith.addf %add3A_542, %concatenate3A_550 : vector<2048x256xf32>
    %add3A_552 = vector.broadcast %get3A_440 : vector<1x256xf32> to vector<2048x256xf32>
    %add3A_553 = arith.addf %add3A_551, %add3A_552 : vector<2048x256xf32>
    %max3A_554 = arith.constant 0.000000e+00 : f32
    %max3A_555 = vector.broadcast %max3A_554 : f32 to vector<2048x256xf32>
    %max3A_556 = arith.maximumf %add3A_553, %max3A_555 : vector<2048x256xf32>
    %reduce_sum3A_557 = arith.constant dense<0.000000e+00> : vector<2048xf32>
    %reduce_sum3A_558 = vector.multi_reduction <add>, %max3A_556, %reduce_sum3A_557 [1] : vector<2048x256xf32> to vector<2048xf32>
    %broadcast_in_dim3A_559 = vector.shape_cast %reduce_sum3A_558 : vector<2048xf32> to vector<2048x1xf32>
    %div3A_560 = arith.constant 2.560000e+02 : f32
    %div3A_561 = vector.broadcast %div3A_560 : f32 to vector<2048x1xf32>
    %div3A_562 = arith.divf %broadcast_in_dim3A_559, %div3A_561 : vector<2048x1xf32>
    %jit3A_563 = arith.constant 0 : i32
    %reduce_sum3A_564 = arith.constant dense<0.000000e+00> : vector<2048xf32>
    %reduce_sum3A_565 = vector.multi_reduction <add>, %max3A_556, %reduce_sum3A_564 [1] : vector<2048x256xf32> to vector<2048xf32>
    %broadcast_in_dim3A_566 = vector.shape_cast %reduce_sum3A_565 : vector<2048xf32> to vector<2048x1xf32>
    %div3A_567 = arith.constant 2.560000e+02 : f32
    %div3A_568 = vector.broadcast %div3A_567 : f32 to vector<2048x1xf32>
    %div3A_569 = arith.divf %broadcast_in_dim3A_566, %div3A_568 : vector<2048x1xf32>
    %sub3A_570 = vector.broadcast %div3A_569 : vector<2048x1xf32> to vector<2048x256xf32>
    %sub3A_571 = arith.subf %max3A_556, %sub3A_570 : vector<2048x256xf32>
    %square3A_572 = arith.mulf %sub3A_571, %sub3A_571 : vector<2048x256xf32>
    %convert_element_type3A_573 = arith.sitofp %jit3A_563 : i32 to f32
    %sub3A_574 = arith.constant 2.560000e+02 : f32
    %sub3A_575 = arith.subf %sub3A_574, %convert_element_type3A_573 : f32
    %reduce_sum3A_576 = arith.constant dense<0.000000e+00> : vector<2048xf32>
    %reduce_sum3A_577 = vector.multi_reduction <add>, %square3A_572, %reduce_sum3A_576 [1] : vector<2048x256xf32> to vector<2048xf32>
    %broadcast_in_dim3A_578 = vector.shape_cast %reduce_sum3A_577 : vector<2048xf32> to vector<2048x1xf32>
    %div3A_579 = vector.broadcast %sub3A_575 : f32 to vector<2048x1xf32>
    %div3A_580 = arith.divf %broadcast_in_dim3A_578, %div3A_579 : vector<2048x1xf32>
    %gt3A_581 = arith.constant 0.000000e+00 : f32
    %gt3A_582 = arith.cmpf ogt, %sub3A_575, %gt3A_581 : f32
    %jit3A_583 = arith.constant 0x7FC00000 : f32
    %broadcast_in_dim3A_584 = vector.broadcast %jit3A_583 : f32 to vector<2048x1xf32>
    %select_n3A_585 = arith.select %gt3A_582, %div3A_580, %broadcast_in_dim3A_584 : vector<2048x1xf32>
    %sub3A_586 = vector.broadcast %div3A_562 : vector<2048x1xf32> to vector<2048x256xf32>
    %sub3A_587 = arith.subf %max3A_556, %sub3A_586 : vector<2048x256xf32>
    %add3A_588 = arith.constant 9.99999974E-6 : f32
    %add3A_589 = vector.broadcast %add3A_588 : f32 to vector<2048x1xf32>
    %add3A_590 = arith.addf %select_n3A_585, %add3A_589 : vector<2048x1xf32>
    %sqrt3A_591 = math.sqrt %add3A_590 : vector<2048x1xf32>
    %div3A_592 = vector.broadcast %sqrt3A_591 : vector<2048x1xf32> to vector<2048x256xf32>
    %div3A_593 = arith.divf %sub3A_587, %div3A_592 : vector<2048x256xf32>
    %mul3A_594 = vector.broadcast %get3A_443 : vector<1x256xf32> to vector<2048x256xf32>
    %mul3A_595 = arith.mulf %div3A_593, %mul3A_594 : vector<2048x256xf32>
    %add3A_596 = vector.broadcast %get3A_446 : vector<1x256xf32> to vector<2048x256xf32>
    %add3A_597 = arith.addf %mul3A_595, %add3A_596 : vector<2048x256xf32>
    %convert_element_type3A_598 = arith.truncf %get3A_449 : vector<1x256xf32> to vector<1x256xbf16>
    %convert_element_type3A_599 = arith.truncf %add3A_597 : vector<2048x256xf32> to vector<2048x256xbf16>
    %dot_general3A_600 = arith.constant dense<0.000000e+00> : vector<1x2048xf32>
    %dot_general3A_601 = tpu.matmul %convert_element_type3A_598, %convert_element_type3A_599, %dot_general3A_600 {dimension_numbers = #tpu.dot_dimension_numbers<[1], [1], [0], [0], [0, 0, 1, 0], [], []>, transpose_lhs_hint = false} : vector<1x256xbf16>, vector<2048x256xbf16>, vector<1x2048xf32> -> vector<1x2048xf32>
    %squeeze3A_602 = vector.shape_cast %dot_general3A_601 : vector<1x2048xf32> to vector<2048xf32>
    %swap3A_603 = arith.constant 0 : index
    %swap3A_604 = arith.constant 0 : index
    %swap3A_605 = arith.constant 0 : index
    %swap3A_606 = vector.load %arg36[%swap3A_603, %swap3A_604, %swap3A_605] : memref<1x1x2048xf32, #tpu.memory_space<vmem>>, vector<1x1x2048xf32>
    %swap3A_607 = vector.shape_cast %swap3A_606 : vector<1x1x2048xf32> to vector<2048xf32>
    %swap3A_608 = vector.shape_cast %squeeze3A_602 : vector<2048xf32> to vector<1x1x2048xf32>
    tpu.vector_store %arg36[%swap3A_603, %swap3A_604, %swap3A_605], %swap3A_608 {strides = array<i32>} : memref<1x1x2048xf32, #tpu.memory_space<vmem>>, vector<1x1x2048xf32>,
    %add3A_609 = arith.addf %add3A_428, %slice3A_247 : vector<2048x256xf32>
    %swap3A_610 = arith.constant 0 : index
    %swap3A_611 = arith.constant 0 : index
    %swap3A_612 = arith.constant 0 : index
    %swap3A_613 = vector.load %arg34[%swap3A_610, %swap3A_611, %swap3A_612] : memref<1x2048x256xf32, #tpu.memory_space<vmem>>, vector<1x2048x256xf32>
    %swap3A_614 = vector.shape_cast %swap3A_613 : vector<1x2048x256xf32> to vector<2048x256xf32>
    %swap3A_615 = vector.shape_cast %add3A_609 : vector<2048x256xf32> to vector<1x2048x256xf32>
    tpu.vector_store %arg34[%swap3A_610, %swap3A_611, %swap3A_612], %swap3A_615 {strides = array<i32>} : memref<1x2048x256xf32, #tpu.memory_space<vmem>>, vector<1x2048x256xf32>,
    return
  }
  func.func @transform_0(%arg0: i32) -> (i32, i32, i32) {
    %c0_i32 = arith.constant 0 : i32
    %c0_i32_0 = arith.constant 0 : i32
    %c0_i32_1 = arith.constant 0 : i32
    return %arg0, %c0_i32, %c0_i32_0 : i32, i32, i32
  }
  func.func @transform_1(%arg0: i32) -> (i32, i32, i32) {
    %c0_i32 = arith.constant 0 : i32
    %c0_i32_0 = arith.constant 0 : i32
    %c0_i32_1 = arith.constant 0 : i32
    return %arg0, %c0_i32, %c0_i32_0 : i32, i32, i32
  }
  func.func @transform_2(%arg0: i32) -> (i32, i32, i32) {
    %c0_i32 = arith.constant 0 : i32
    %c0_i32_0 = arith.constant 0 : i32
    %c0_i32_1 = arith.constant 0 : i32
    return %arg0, %c0_i32, %c0_i32_0 : i32, i32, i32
  }
  func.func @transform_3(%arg0: i32) -> (i32, i32) {
    %c0_i32 = arith.constant 0 : i32
    %c0_i32_0 = arith.constant 0 : i32
    %c0_i32_1 = arith.constant 0 : i32
    return %c0_i32, %c0_i32_0 : i32, i32
  }
  func.func @transform_4(%arg0: i32) -> (i32, i32) {
    %c0_i32 = arith.constant 0 : i32
    %c0_i32_0 = arith.constant 0 : i32
    %c0_i32_1 = arith.constant 0 : i32
    return %c0_i32, %c0_i32_0 : i32, i32
  }
  func.func @transform_5(%arg0: i32) -> (i32, i32, i32) {
    %c0_i32 = arith.constant 0 : i32
    %c0_i32_0 = arith.constant 0 : i32
    %c0_i32_1 = arith.constant 0 : i32
    %c0_i32_2 = arith.constant 0 : i32
    return %c0_i32, %c0_i32_0, %c0_i32_1 : i32, i32, i32
  }
  func.func @transform_6(%arg0: i32) -> (i32, i32) {
    %c0_i32 = arith.constant 0 : i32
    %c0_i32_0 = arith.constant 0 : i32
    %c0_i32_1 = arith.constant 0 : i32
    return %c0_i32, %c0_i32_0 : i32, i32
  }
  func.func @transform_7(%arg0: i32) -> (i32, i32) {
    %c0_i32 = arith.constant 0 : i32
    %c0_i32_0 = arith.constant 0 : i32
    %c0_i32_1 = arith.constant 0 : i32
    return %c0_i32, %c0_i32_0 : i32, i32
  }
  func.func @transform_8(%arg0: i32) -> (i32, i32) {
    %c0_i32 = arith.constant 0 : i32
    %c0_i32_0 = arith.constant 0 : i32
    %c0_i32_1 = arith.constant 0 : i32
    return %c0_i32, %c0_i32_0 : i32, i32
  }
  func.func @transform_9(%arg0: i32) -> (i32, i32, i32) {
    %c0_i32 = arith.constant 0 : i32
    %c0_i32_0 = arith.constant 0 : i32
    %c0_i32_1 = arith.constant 0 : i32
    %c0_i32_2 = arith.constant 0 : i32
    return %c0_i32, %c0_i32_0, %c0_i32_1 : i32, i32, i32
  }
  func.func @transform_10(%arg0: i32) -> (i32, i32) {
    %c0_i32 = arith.constant 0 : i32
    %c0_i32_0 = arith.constant 0 : i32
    %c0_i32_1 = arith.constant 0 : i32
    return %c0_i32, %c0_i32_0 : i32, i32
  }
  func.func @transform_11(%arg0: i32) -> (i32, i32) {
    %c0_i32 = arith.constant 0 : i32
    %c0_i32_0 = arith.constant 0 : i32
    %c0_i32_1 = arith.constant 0 : i32
    return %c0_i32, %c0_i32_0 : i32, i32
  }
  func.func @transform_12(%arg0: i32) -> (i32, i32) {
    %c0_i32 = arith.constant 0 : i32
    %c0_i32_0 = arith.constant 0 : i32
    %c0_i32_1 = arith.constant 0 : i32
    return %c0_i32, %c0_i32_0 : i32, i32
  }
  func.func @transform_13(%arg0: i32) -> (i32, i32) {
    %c0_i32 = arith.constant 0 : i32
    %c0_i32_0 = arith.constant 0 : i32
    %c0_i32_1 = arith.constant 0 : i32
    return %c0_i32, %c0_i32_0 : i32, i32
  }
  func.func @transform_14(%arg0: i32) -> (i32, i32, i32) {
    %c0_i32 = arith.constant 0 : i32
    %c0_i32_0 = arith.constant 0 : i32
    %c0_i32_1 = arith.constant 0 : i32
    %c0_i32_2 = arith.constant 0 : i32
    return %c0_i32, %c0_i32_0, %c0_i32_1 : i32, i32, i32
  }
  func.func @transform_15(%arg0: i32) -> (i32, i32) {
    %c0_i32 = arith.constant 0 : i32
    %c0_i32_0 = arith.constant 0 : i32
    %c0_i32_1 = arith.constant 0 : i32
    return %c0_i32, %c0_i32_0 : i32, i32
  }
  func.func @transform_16(%arg0: i32) -> (i32, i32) {
    %c0_i32 = arith.constant 0 : i32
    %c0_i32_0 = arith.constant 0 : i32
    %c0_i32_1 = arith.constant 0 : i32
    return %c0_i32, %c0_i32_0 : i32, i32
  }
  func.func @transform_17(%arg0: i32) -> (i32, i32) {
    %c0_i32 = arith.constant 0 : i32
    %c0_i32_0 = arith.constant 0 : i32
    %c0_i32_1 = arith.constant 0 : i32
    return %c0_i32, %c0_i32_0 : i32, i32
  }
  func.func @transform_18(%arg0: i32) -> (i32, i32, i32) {
    %c0_i32 = arith.constant 0 : i32
    %c0_i32_0 = arith.constant 0 : i32
    %c0_i32_1 = arith.constant 0 : i32
    %c0_i32_2 = arith.constant 0 : i32
    return %c0_i32, %c0_i32_0, %c0_i32_1 : i32, i32, i32
  }
  func.func @transform_19(%arg0: i32) -> (i32, i32) {
    %c0_i32 = arith.constant 0 : i32
    %c0_i32_0 = arith.constant 0 : i32
    %c0_i32_1 = arith.constant 0 : i32
    return %c0_i32, %c0_i32_0 : i32, i32
  }
  func.func @transform_20(%arg0: i32) -> (i32, i32) {
    %c0_i32 = arith.constant 0 : i32
    %c0_i32_0 = arith.constant 0 : i32
    %c0_i32_1 = arith.constant 0 : i32
    return %c0_i32, %c0_i32_0 : i32, i32
  }
  func.func @transform_21(%arg0: i32) -> (i32, i32) {
    %c0_i32 = arith.constant 0 : i32
    %c0_i32_0 = arith.constant 0 : i32
    %c0_i32_1 = arith.constant 0 : i32
    return %c0_i32, %c0_i32_0 : i32, i32
  }
  func.func @transform_22(%arg0: i32) -> (i32, i32) {
    %c0_i32 = arith.constant 0 : i32
    %c0_i32_0 = arith.constant 0 : i32
    %c0_i32_1 = arith.constant 0 : i32
    return %c0_i32, %c0_i32_0 : i32, i32
  }
  func.func @transform_23(%arg0: i32) -> (i32, i32, i32) {
    %c0_i32 = arith.constant 0 : i32
    %c0_i32_0 = arith.constant 0 : i32
    %c0_i32_1 = arith.constant 0 : i32
    %c0_i32_2 = arith.constant 0 : i32
    return %c0_i32, %c0_i32_0, %c0_i32_1 : i32, i32, i32
  }
  func.func @transform_24(%arg0: i32) -> (i32, i32) {
    %c0_i32 = arith.constant 0 : i32
    %c0_i32_0 = arith.constant 0 : i32
    %c0_i32_1 = arith.constant 0 : i32
    return %c0_i32, %c0_i32_0 : i32, i32
  }
  func.func @transform_25(%arg0: i32) -> (i32, i32) {
    %c0_i32 = arith.constant 0 : i32
    %c0_i32_0 = arith.constant 0 : i32
    %c0_i32_1 = arith.constant 0 : i32
    return %c0_i32, %c0_i32_0 : i32, i32
  }
  func.func @transform_26(%arg0: i32) -> (i32, i32) {
    %c0_i32 = arith.constant 0 : i32
    %c0_i32_0 = arith.constant 0 : i32
    %c0_i32_1 = arith.constant 0 : i32
    return %c0_i32, %c0_i32_0 : i32, i32
  }
  func.func @transform_27(%arg0: i32) -> (i32, i32, i32) {
    %c0_i32 = arith.constant 0 : i32
    %c0_i32_0 = arith.constant 0 : i32
    %c0_i32_1 = arith.constant 0 : i32
    %c0_i32_2 = arith.constant 0 : i32
    return %c0_i32, %c0_i32_0, %c0_i32_1 : i32, i32, i32
  }
  func.func @transform_28(%arg0: i32) -> (i32, i32) {
    %c0_i32 = arith.constant 0 : i32
    %c0_i32_0 = arith.constant 0 : i32
    %c0_i32_1 = arith.constant 0 : i32
    return %c0_i32, %c0_i32_0 : i32, i32
  }
  func.func @transform_29(%arg0: i32) -> (i32, i32) {
    %c0_i32 = arith.constant 0 : i32
    %c0_i32_0 = arith.constant 0 : i32
    %c0_i32_1 = arith.constant 0 : i32
    return %c0_i32, %c0_i32_0 : i32, i32
  }
  func.func @transform_30(%arg0: i32) -> (i32, i32) {
    %c0_i32 = arith.constant 0 : i32
    %c0_i32_0 = arith.constant 0 : i32
    %c0_i32_1 = arith.constant 0 : i32
    return %c0_i32, %c0_i32_0 : i32, i32
  }
  func.func @transform_31(%arg0: i32) -> (i32, i32) {
    %c0_i32 = arith.constant 0 : i32
    %c0_i32_0 = arith.constant 0 : i32
    %c0_i32_1 = arith.constant 0 : i32
    return %c0_i32, %c0_i32_0 : i32, i32
  }
  func.func @transform_32(%arg0: i32) -> (i32, i32) {
    %c0_i32 = arith.constant 0 : i32
    %c0_i32_0 = arith.constant 0 : i32
    %c0_i32_1 = arith.constant 0 : i32
    return %c0_i32, %c0_i32_0 : i32, i32
  }
  func.func @transform_33(%arg0: i32) -> (i32, i32, i32) {
    %c0_i32 = arith.constant 0 : i32
    %c0_i32_0 = arith.constant 0 : i32
    %c0_i32_1 = arith.constant 0 : i32
    return %arg0, %c0_i32, %c0_i32_0 : i32, i32, i32
  }
  func.func @transform_34(%arg0: i32) -> (i32, i32, i32) {
    %c0_i32 = arith.constant 0 : i32
    %c0_i32_0 = arith.constant 0 : i32
    %c0_i32_1 = arith.constant 0 : i32
    return %arg0, %c0_i32, %c0_i32_0 : i32, i32, i32
  }
  func.func @transform_35(%arg0: i32) -> (i32, i32, i32) {
    %c0_i32 = arith.constant 0 : i32
    %c0_i32_0 = arith.constant 0 : i32
    %c0_i32_1 = arith.constant 0 : i32
    return %arg0, %c0_i32, %c0_i32_0 : i32, i32, i32
  }
  func.func @transform_36(%arg0: i32) -> (i32, i32, i32) {
    %c0_i32 = arith.constant 0 : i32
    %c0_i32_0 = arith.constant 0 : i32
    %c0_i32_1 = arith.constant 0 : i32
    return %arg0, %c0_i32, %c0_i32_0 : i32, i32, i32
  }
  func.func @transform_37(%arg0: i32) -> (i32, i32, i32) {
    %c0_i32 = arith.constant 0 : i32
    %c0_i32_0 = arith.constant 0 : i32
    %c0_i32_1 = arith.constant 0 : i32
    return %arg0, %c0_i32, %c0_i32_0 : i32, i32, i32
  }
}

</mosaic_0001>

<sc_bundles>
// kernel: kernel.5.cloned.1.call-start
scs
__scs_entry_jumppad:
0x0: {  	(pc) =	sbr.rel $0x88, $3  }
0x1: {  	(tag) =	ssettag $0x0;
	lr =	simm.s32 $0x1  }
0x2: {  	[smem:$0x3F7B] =	sst lr;
	_ =	strace $0xD0000000  }
0x3: {  	_ = 	snop  }
0x4: {  	_ = 	snop  }
0x5: {  	_ = 	snop  }
0x6: {  	_ = 	snop  }
0x7: {  	_ = 	snop  }
__scs_overlays_trampoline_lowered:
0x8: {  	[smem:$0x3F8A] =	sst s0  }
0x9: {  	[smem:$0x3F8B] =	sst s1  }
0xa: {  	[smem:$0x3F8C] =	sst s2  }
0xb: {  	[smem:$0x3F8D] =	sst s3  }
0xc: {  	[smem:$0x3F8E] =	sst s4  }
0xd: {  	[smem:$0x3F8F] =	sst s5  }
0xe: {  	[smem:$0x3F90] =	sst s6  }
0xf: {  	[smem:$0x3F91] =	sst s7  }
0x10: {  	[smem:$0x3F92] =	sst s8  }
0x11: {  	[smem:$0x3F93] =	sst s9;
	s0 =	simm.s32 @!p0 $0x0  }
0x12: {  	s1 =	sld [smem:$0x3F79];
	s0 =	simm.s32 @p0 $0x1  }
0x13: {  	[smem:$0x3F94] =	sst s0;
	s0 =	simm.s32 @!p1 $0x0  }
0x14: {  	s2 =	sld [smem:$0x3F78];
	s0 =	simm.s32 @p1 $0x1  }
0x15: {  	[smem:$0x3F95] =	sst s0;
	s0 =	simm.s32 @!p2 $0x0  }
0x16: {  	s3 =	sld [smem:$0x3FDB];
	s0 =	simm.s32 @p2 $0x1  }
0x17: {  	s4 =	simm.s32 $0x1BF5;
	[smem:$0x3F97] =	sst s0  }
0x18: {  	s0 =	sld [smem:$0x3F7A];
	_ =	swait.ge [sflag:s4], $0x0  }
0x19: {  	s7 =	sld [smem:$0x3F7B]  }
0x1a: {  	s8 =	sadd.s32 $0xFFFFE003, lr  }
0x1b: {  	s9 =	sadd.s32 $0xFFFFFEF7, lr;
	s5 =	simm.s32 $0xFFFFFFFF;
	p2 =	slt.u32 s8, $0xFFFFF086  }
0x1c: {  	p1 =	slt.u32 s9, $0xF7A;
	s5 =	simm.s32 @!p2 $0x0  }
0x1d: {  	s5 =	simm.s32 @p1 $0x1;
	p0 =	seq.s32 s7, s2  }
0x1e: {  	s7 =	smul.u32 @!p0 $0xF7A, s2;
	p2 =	seq.s32 @!p0 s5, $0x0  }
0x1f: {  	s9 =	smul.u32 $0xF7A, s1;
	s8 =	simm.s32 @!p0 $0x1BF5;
	p2 =	por !p2, p0  }
0x20: {  	[sflag:s8] =	ssyncset.s32 @!p0 $0xFFFFF086;
	s6 =	sadd.s32 @!p0 s3, s7;
	s7 =	simm.s32 @!p0 $0x108  }
0x21: {  	s3 =	sadd.s32 s3, s9;
	s6 =	sadd.s32 @!p0 $0x88, s6;
	s7 =	simm.s32 @p2 $0x1082  }
0x22: {  	[simem:s7], [sflag:s8] =	dma.local @!p0 [hbm:s6], $0xF7A  }
0x23: {  	s9 =	sor.u32 $0xD0000000, s2;
	s6 =	simm.s32 $0x108;
	_ =	swait.ge @!p0 [sflag:s8], $0x0  }
0x24: {  	s3 =	sadd.s32 $0x88, s3;
	s6 =	simm.s32 @!p1 $0x1082;
	[sflag:s4] =	ssyncset.s32 $0xFFFFF086  }
0x25: {  	[simem:s6], [sflag:s4] =	dma.local [hbm:s3], $0xF7A  }
0x26: {  	[smem:$0x3F7B] =	sst s1;
	(tag) =	ssettag s2;
	_ =	strace s9  }
0x27: {  	s1 =	sld [smem:$0x3F8B]  }
0x28: {  	s2 =	sld [smem:$0x3F8C]  }
0x29: {  	s4 =	sld [smem:$0x3F8E]  }
0x2a: {  	p0 =	seq.s32 s5, $0x0;
	s5 =	sld [smem:$0x3F8F]  }
0x2b: {  	s6 =	sld [smem:$0x3F90]  }
0x2c: {  	s7 =	sld [smem:$0x3F91]  }
0x2d: {  	s3 =	simm.s32 $0x108;
	s8 =	sld [smem:$0x3F92]  }
0x2e: {  	s3 =	simm.s32 @!p0 $0x1082;
	s9 =	sld [smem:$0x3F93]  }
0x2f: {  	lr =	sadd.s32 s0, s3;
	s0 =	sld [smem:$0x3F8A]  }
0x30: {  	s3 =	sld [smem:$0x3F8D]  }
0x31: {  	[smem:$0x3F96] =	sst s10  }
0x32: {  	s10 =	sld [smem:$0x3F94];
	_ =	sdelay $0x3  }
0x33: {  	p0 =	seq.s32 s10, $0x1;
	s10 =	sld [smem:$0x3F96];
	_ =	sdelay $0x3  }
0x34: {  	[smem:$0x3F96] =	sst s10  }
0x35: {  	s10 =	sld [smem:$0x3F95];
	_ =	sdelay $0x3  }
0x36: {  	p1 =	seq.s32 s10, $0x1;
	s10 =	sld [smem:$0x3F96];
	_ =	sdelay $0x3  }
0x37: {  	[smem:$0x3F96] =	sst s10  }
0x38: {  	s10 =	sld [smem:$0x3F97]  }
0x39: {  	_ = 	snop;
	(pc) =	sbr.ind lr, $3  }
0x3a: {  	_ = 	snop  }
0x3b: {  	_ = 	snop  }
0x3c: {  	p2 =	seq.s32 s10, $0x1;
	s10 =	sld [smem:$0x3F96]  }
0x3d: {  	_ =	shalt  }
0x3e: {  	_ =	shalt  }
0x3f: {  	_ =	shalt  }
0x40: {  	_ =	shalt  }
0x41: {  	_ =	shalt  }
0x42: {  	_ =	shalt  }
0x43: {  	_ =	shalt  }
0x44: {  	_ =	shalt  }
0x45: {  	_ =	shalt  }
0x46: {  	_ =	shalt  }
0x47: {  	_ =	shalt  }
0x48: {  	_ =	shalt  }
0x49: {  	_ =	shalt  }
0x4a: {  	_ =	shalt  }
0x4b: {  	_ =	shalt  }
0x4c: {  	_ =	shalt  }
0x4d: {  	_ =	shalt  }
0x4e: {  	_ =	shalt  }
0x4f: {  	_ =	shalt  }
0x50: {  	_ =	shalt  }
0x51: {  	_ =	shalt  }
0x52: {  	_ =	shalt  }
0x53: {  	_ =	shalt  }
0x54: {  	_ =	shalt  }
0x55: {  	_ =	shalt  }
0x56: {  	_ =	shalt  }
0x57: {  	_ =	shalt  }
0x58: {  	_ =	shalt  }
0x59: {  	_ =	shalt  }
0x5a: {  	_ =	shalt  }
0x5b: {  	_ =	shalt  }
0x5c: {  	_ =	shalt  }
0x5d: {  	_ =	shalt  }
0x5e: {  	_ =	shalt  }
0x5f: {  	_ =	shalt  }
0x60: {  	_ =	shalt  }
0x61: {  	_ =	shalt  }
0x62: {  	_ =	shalt  }
0x63: {  	_ =	shalt  }
0x64: {  	_ =	shalt  }
0x65: {  	_ =	shalt  }
0x66: {  	_ =	shalt  }
0x67: {  	_ =	shalt  }
0x68: {  	_ =	shalt  }
0x69: {  	_ =	shalt  }
0x6a: {  	_ =	shalt  }
0x6b: {  	_ =	shalt  }
0x6c: {  	_ =	shalt  }
0x6d: {  	_ =	shalt  }
0x6e: {  	_ =	shalt  }
0x6f: {  	_ =	shalt  }
0x70: {  	_ =	shalt  }
0x71: {  	_ =	shalt  }
0x72: {  	_ =	shalt  }
0x73: {  	_ =	shalt  }
0x74: {  	_ =	shalt  }
0x75: {  	_ =	shalt  }
0x76: {  	_ =	shalt  }
0x77: {  	_ =	shalt  }
0x78: {  	_ =	shalt  }
0x79: {  	_ =	shalt  }
0x7a: {  	_ =	shalt  }
0x7b: {  	_ =	shalt  }
0x7c: {  	_ =	shalt  }
0x7d: {  	_ =	shalt  }
0x7e: {  	_ =	shalt  }
0x7f: {  	_ =	shalt  }
0x80: {  	_ =	shalt  }
0x81: {  	_ =	shalt  }
0x82: {  	_ =	shalt  }
0x83: {  	_ =	shalt  }
0x84: {  	_ =	shalt  }
0x85: {  	_ =	shalt  }
0x86: {  	_ =	shalt  }
0x87: {  	_ =	shalt  }
.Lfunc_end0:
.L_simem_size_0:
called_computation_lowered:
.L_overlay_start_0:
0x88: {  	s2 =	sld [smem:$0x3FD9]  }
0x89: {  	s3 =	sld [smem:$0x3FFE];
	_ =	sdelay $0x1  }
0x8a: {  	s1 =	srdreg.scid  }
0x8b: {  	s0 =	sand.u32 $0x1, s1  }
0x8c: {  	s14 =	sshll.u32 s0, $0xA;
	s2 =	sadd.s32 s3, s2  }
0x8d: {  	s2 =	sadd.s32 s2, s14  }
0x8e: {  	[smem:$0x3FA2] =	sst s2  }
0x8f: {  	_ = 	snop  }
0x90: {  	s2 =	sld [smem:$0x3FD0];
	_ =	sdelay $0x1  }
0x91: {  	s15 =	sld [smem:$0x3FA5]  }
0x92: {  	s5 =	simm.s32 $0xA;
	s6 =	simm.s32 $0x10;
	s4 =	sld [smem:$0x3FA4]  }
0x93: {  	[smem:s6], [sflag:s5] =	dma.local [hbm:s2], $0x1  }
0x94: {  	_ =	swait.eq [sflag:s5], $0x1  }
0x95: {  	[sflag:s5] =	ssyncset.done $0x0  }
0x96: {  	s16 =	sld [smem:$0x15];
	[sflag:s5] =	ssyncadd.s32 $0xFFFFFFFF  }
0x97: {  	s17 =	sld [smem:$0x17];
	(tm) =	ssettm $0x1  }
0x98: {  	s18 =	sld [smem:$0x3FFB];
	_ =	sdelay $0x3  }
0x99: {  	_ =	strace s18  }
0x9a: {  	s6 =	sld [smem:$0x3FFC];
	_ =	sdelay $0x3  }
0x9b: {  	_ =	strace s6  }
0x9c: {  	s6 =	sld [smem:$0x3FFD];
	_ =	sdelay $0x3  }
0x9d: {  	_ =	strace s6  }
0x9e: {  	_ =	strace $0x8FFFFFFF  }
0x9f: {  	s19 =	sld [smem:$0x3FDB];
	_ =	sdelay $0x1  }
0xa0: {  	s7 =	simm.s32 $_scs_section_size  }
0xa1: {  	s8 =	simm.s32 $_size__tile_overlayer_lowered;
	s9 =	simm.s32 $_tile_overlayer_lowered  }
0xa2: {  	s22 =	simm.s32 $0x1BFF;
	s21 =	sshll.u32 s9, $0x1;
	s6 =	sadd.s32 s7, s19  }
0xa3: {  	s10 =	simm.s32 $0x0;
	s20 =	sshll.u32 s8, $0x1;
	s8 =	sadd.s32 s21, s6  }
0xa4: {  	[timem:s10], [sflag:s22] =	dma.local [hbm:s8], s20  }
0xa5: {  	_ =	swait.ge [sflag:s22], s20  }
0xa6: {  	s7 =	ssub.s32 $0x0, s20;
	[sflag:s22] =	ssyncset.done $0x0  }
0xa7: {  	[sflag:s22] =	ssyncadd.s32 s7;
	_ =	sdelay $0x1  }
0xa8: {  	s23 =	simm.s32 $0x1B8B  }
0xa9: {  	_ =	swait.ge [sflag:s23], $0x1  }
0xaa: {  	[sflag:s23] =	ssyncset.done $0x0  }
0xab: {  	s25 =	simm.s32 $0x1B8E;
	s24 =	sld [smem:$0x3FFE];
	[sflag:s23] =	ssyncadd.s32 $0xFFFFFFFF  }
0xac: {  	s26 =	simm.s32 $execute0_lowered;
	[smem:$0x3FD2] =	sst s25  }
0xad: {  	s8 =	sshll.u32 s26, $0x1;
	_ =	strace $0x80000046;
	[dreg:$0x1] =	wrdreg $0xFFFFFFFF  }
0xae: {  	s28 =	simm.s32 $_size_execute0_lowered;
	s6 =	sadd.s32 s6, s8;
	[dreg:$0x0] =	wrdreg $0x0  }
0xaf: {  	s8 =	sshll.u32 s28, $0x1;
	[dreg:$0x2] =	wrdreg s6  }
0xb0: {  	[dreg:$0x3] =	wrdreg s8  }
0xb1: {  	[dreg:$0x4] =	wrdreg $0xC0  }
0xb2: {  	_ =	task [dreg:s10], $0x5FFFF  }
0xb3: {  	[dreg:$0x1] =	wrdreg $0xFFFFFFFF  }
0xb4: {  	[dreg:$0x0] =	wrdreg $0x60  }
0xb5: {  	[dreg:$0x2] =	wrdreg s15  }
0xb6: {  	[dreg:$0x3] =	wrdreg s4  }
0xb7: {  	[dreg:$0x4] =	wrdreg s24  }
0xb8: {  	[dreg:$0x5] =	wrdreg s16  }
0xb9: {  	[dreg:$0x6] =	wrdreg s17  }
0xba: {  	[dreg:$0x7] =	wrdreg $0x9  }
0xbb: {  	_ =	task.clear_ibuf [dreg:s10], $0x8FFFF;
	_ =	strace $0x90000046  }
0xbc: {  	s29 =	simm.s32 $0x9;
	_ =	strace $0x80000056  }
0xbd: {  	_ =	swait.ge [sflag:s29], $0x1  }
0xbe: {  	[sflag:s29] =	ssyncadd.s32 $0xFFFFFFFF  }
0xbf: {  	_ =	strace $0x90000056  }
0xc0: {  	_ =	sfence  }
0xc1: {  	s30 =	sld [smem:$0x0];
	_ =	sdelay $0x2  }
0xc2: {  	s31 =	sshll.u32 s1, $0xD;
	s1 =	sshrl.u32 s1, $0x2  }
0xc3: {  	s3 =	sand.u32 $0x4000, s31;
	s1 =	sadd.s32 s1, s30  }
0xc4: {  	s0 =	sor.u32 s3, s0;
	s1 =	sshll.u32 s1, $0x11  }
0xc5: {  	s0 =	sor.u32 s1, s0  }
0xc6: {  	s0 =	sadd.s32 $0x8F2B, s0  }
0xc7: {  	[sflag:s0] =	ssyncadd.remote.s32 $0x1  }
0xc8: {  	_ =	sfence.sel $0xFFFF  }
0xc9: {  	[dreg:$0x0] =	wrdreg $0xFFFFFFFF;
	(pc) =	sbr.abs _section_cstart, $3  }
0xca: {  	[dreg:$0x1] =	wrdreg $0xFFFFFFFF  }
0xcb: {  	_ =	task.clear_ibuf [dreg:s10], $0x2FFFF;
	_ =	strace $0x9FFFFFFF  }
0xcc: {  	(tm) =	ssettm $0x7FFFFFFF  }
0xcd: {  	_ =	shalt  }
tec
execute0_lowered:
.L_overlay_start_1:
0x0: {  	(tag) =	ssettag $0x1  }
0x1: {  	s0 =	rddreg [dreg:$0x0]  }
0x2: {  	s2 =	rddreg [dreg:$0x1]  }
0x3: {  	s5 =	rddreg [dreg:$0x2]  }
0x4: {  	s1 =	rddreg [dreg:$0x3]  }
0x5: {  	s30 =	rddreg [dreg:$0x4]  }
0x6: {  	[dreg:$0x6] =	wrdreg s1  }
0x7: {  	s4 =	simm.s32 $0x0;
	s3 =	srdreg.scid;
	[dreg:$0x7] =	wrdreg s30  }
0x8: {  	s9 =	simm.s32 $0x5;
	s10 =	simm.s32 $0x4;
	s1 =	rddreg [dreg:$0x5]  }
0x9: {  	s11 =	simm.s32 $0x0;
	[smem:$0x7FF] =	sst s4;
	s6 =	sand.u32 $0x1, s3  }
0xa: {  	s3 =	stileid.u32;
	s7 =	ssub.s32 $0x2, s6;
	s6 =	sshll.u32 s6, $0x4  }
0xb: {  	v2 =	vlaneseq.u32;
	s5 =	sadd.s32 $0x4800, s5;
	s8 =	sshrl.u32 s7, $0x1;
	s6 =	sor.u32 s3, s6  }
0xc: {  	vm0 =	vmmov $0xffff;
	v1 =	vshrl.u32 v2, $0x3;
	_ =	strace $0x80000047;
	s8 =	ssub.s32 s7, s8;
	s31 =	sshll.u32 s6, $0x7  }
0xd: {  	v0 =	vand.u32 $0x7, v2;
	v2 =	vor.u32 $0x8, v2;
	v1 =	vmul.u32 $0x8, v1;
	s6 =	sshll.u32 s6, $0x3;
	s7 =	sadd.s32 s5, s31;
	s8 =	smax.u32 s8, $0x1  }
.LBB2_1:
0xe: {  	_ =	strace $0x80000048;
	s12 =	simm.s32 $0x8  }
0xf: {  	s13 =	simm.s32 $0x0;
	s14 =	simm.s32 $0x0;
	s15 =	simm.s32 $0x0  }
0x10: {  	[tilespmem:s4], [sflag:$0x1] =	stream.linear.gather [hbm4b:s7+s4], $0x80, $0x200038;
	[tilespmem:$0x10100] =	vst v63  }
0x11: {  	s16 =	simm.s32 $0x0;
	s17 =	simm.s32 $0x1;
	_ =	strace $0x90000048  }
.LBB2_2:
0x12: {  	s18 =	smov.u32 s13;
	s13 =	sadd.s32 $0x1, s13  }
0x13: {  	p0 =	seq.s32 s13, $0x8  }
0x14: {  	s13 =	simm.s32 @p0 $0x0  }
0x15: {  	p6 =	sne.s32 s12, $0x1;
	p1 =	sne.s32 s18, s13  }
0x16: {  	p0 =	por !p6, !p1  }
0x17: {  	p0 =	por !p0, !p0  }
0x18: {  	s19 =	sadd.s32 @p0 s6, s13  }
0x19: {  	s20 =	sand.u32 @p0 $0x1, s17;
	s19 =	sshll.u32 @p0 s19, $0x4  }
0x1a: {  	_ =	strace @p0 $0x80000049;
	s22 =	simm.s32 @p0 $0x0;
	s19 =	sand.u32 @p0 $0x1FFFFFF0, s19  }
0x1b: {  	s21 =	sshll.u32 @p0 s20, $0x7;
	s20 =	sadd.s32 @p0 $0x1, s20;
	s19 =	sadd.s32 @p0 s5, s19  }
0x1c: {  	[tilespmem:s21], [sflag:s20] =	stream.linear.gather @p0 [hbm4b:s19+s22], $0x80, $0x200038;
	[tilespmem:$0x10100] =	vst v63  }
0x1d: {  	s23 =	sand.u32 $0x1, s16;
	_ =	strace @p0 $0x90000049  }
0x1e: {  	s19 =	sadd.s32 $0x1, s23;
	_ =	strace $0x8000004A  }
0x1f: {  	_ =	swait.ge [sflag:s19], $0x80  }
0x20: {  	[sflag:s19] =	ssyncset.done $0x0  }
0x21: {  	[sflag:s19] =	ssyncadd.s32 $0xFFFFFF80  }
0x22: {  	s24 =	sshll.u32 s16, $0x7;
	_ =	strace $0x9000004A  }
0x23: {  	s22 =	sand.u32 $0x80, s24;
	_ =	strace $0x8000004B  }
0x24: {  	v3 =	vld [tilespmem:s22+$0x0];
	_ =	sdelay $0x4  }
0x25: {  	v4 =	vshll.u32 v3, $0x1  }
0x26: {  	v3 =	vand.u32 $0x7, v3;
	v4 =	vand.u32 $0xFFFFFFF0, v4  }
0x27: {  	v3 =	vor.u32 v3, v4  }
0x28: {  	v4 =	vperm.xlane v3, v0;
	_ =	sdelay $0x1  }
0x29: {  	v3 =	vperm.xlane v3, v2;
	v4 =	vadd.s32 v1, v4;
	_ =	sdelay $0x1  }
0x2a: {  	s19 =	sand.u32 $0x1, s15;
	v3 =	vadd.s32 v1, v3  }
0x2b: {  	s21 =	sshll.u32 s19, $0xF  }
0x2c: {  	s20 =	sor.u32 $0x100, s21  }
0x2d: {  	[tilespmem:s20], [sflag:$0x5] =	stream.indirect_vreg.gather [hbm4b:s0+s4], $0x80, v4, vm0, $0x2000b8;
	[tilespmem:$0x10100] =	vst v63  }
0x2e: {  	s23 =	sor.u32 $0x900, s21  }
0x2f: {  	[tilespmem:s23], [sflag:$0x5] =	stream.indirect_vreg.gather [hbm4b:s0+s4], $0x80, v3, vm0, $0x2000b8;
	[tilespmem:$0x10100] =	vst v63  }
0x30: {  	v3 =	vld [tilespmem:s22+$0x10];
	_ =	sdelay $0x4  }
0x31: {  	v57 =	vshll.u32 v3, $0x1  }
0x32: {  	v3 =	vand.u32 $0x7, v3;
	v4 =	vand.u32 $0xFFFFFFF0, v57  }
0x33: {  	v3 =	vor.u32 v3, v4  }
0x34: {  	v4 =	vperm.xlane v3, v0;
	_ =	sdelay $0x1  }
0x35: {  	v3 =	vperm.xlane v3, v2;
	v4 =	vadd.s32 v1, v4;
	_ =	sdelay $0x1  }
0x36: {  	v3 =	vadd.s32 v1, v3;
	_ =	sdelay $0x1  }
0x37: {  	s25 =	sor.u32 $0x1100, s21  }
0x38: {  	[tilespmem:s25], [sflag:$0x5] =	stream.indirect_vreg.gather [hbm4b:s0+s4], $0x80, v4, vm0, $0x2000b8;
	[tilespmem:$0x10100] =	vst v63  }
0x39: {  	s26 =	sor.u32 $0x1900, s21  }
0x3a: {  	[tilespmem:s26], [sflag:$0x5] =	stream.indirect_vreg.gather [hbm4b:s0+s4], $0x80, v3, vm0, $0x2000b8;
	[tilespmem:$0x10100] =	vst v63  }
0x3b: {  	v3 =	vld [tilespmem:s22+$0x20];
	_ =	sdelay $0x4  }
0x3c: {  	v58 =	vshll.u32 v3, $0x1  }
0x3d: {  	v3 =	vand.u32 $0x7, v3;
	v4 =	vand.u32 $0xFFFFFFF0, v58  }
0x3e: {  	v3 =	vor.u32 v3, v4  }
0x3f: {  	v4 =	vperm.xlane v3, v0;
	_ =	sdelay $0x1  }
0x40: {  	v3 =	vperm.xlane v3, v2;
	v4 =	vadd.s32 v1, v4;
	_ =	sdelay $0x1  }
0x41: {  	v3 =	vadd.s32 v1, v3;
	_ =	sdelay $0x1  }
0x42: {  	s28 =	sor.u32 $0x2100, s21  }
0x43: {  	[tilespmem:s28], [sflag:$0x5] =	stream.indirect_vreg.gather [hbm4b:s0+s4], $0x80, v4, vm0, $0x2000b8;
	[tilespmem:$0x10100] =	vst v63  }
0x44: {  	s29 =	sor.u32 $0x2900, s21  }
0x45: {  	[tilespmem:s29], [sflag:$0x5] =	stream.indirect_vreg.gather [hbm4b:s0+s4], $0x80, v3, vm0, $0x2000b8;
	[tilespmem:$0x10100] =	vst v63  }
0x46: {  	v3 =	vld [tilespmem:s22+$0x30];
	_ =	sdelay $0x4  }
0x47: {  	v59 =	vshll.u32 v3, $0x1  }
0x48: {  	v3 =	vand.u32 $0x7, v3;
	v4 =	vand.u32 $0xFFFFFFF0, v59  }
0x49: {  	v3 =	vor.u32 v3, v4  }
0x4a: {  	v4 =	vperm.xlane v3, v0;
	_ =	sdelay $0x1  }
0x4b: {  	v3 =	vperm.xlane v3, v2;
	v4 =	vadd.s32 v1, v4;
	_ =	sdelay $0x1  }
0x4c: {  	v3 =	vadd.s32 v1, v3;
	_ =	sdelay $0x1  }
0x4d: {  	s30 =	sor.u32 $0x3100, s21  }
0x4e: {  	[tilespmem:s30], [sflag:$0x5] =	stream.indirect_vreg.gather [hbm4b:s0+s4], $0x80, v4, vm0, $0x2000b8;
	[tilespmem:$0x10100] =	vst v63  }
0x4f: {  	s31 =	sor.u32 $0x3900, s21  }
0x50: {  	[tilespmem:s31], [sflag:$0x5] =	stream.indirect_vreg.gather [hbm4b:s0+s4], $0x80, v3, vm0, $0x2000b8;
	[tilespmem:$0x10100] =	vst v63  }
0x51: {  	v3 =	vld [tilespmem:s22+$0x40];
	_ =	sdelay $0x4  }
0x52: {  	v60 =	vshll.u32 v3, $0x1  }
0x53: {  	v3 =	vand.u32 $0x7, v3;
	v4 =	vand.u32 $0xFFFFFFF0, v60  }
0x54: {  	v3 =	vor.u32 v3, v4  }
0x55: {  	v4 =	vperm.xlane v3, v0;
	_ =	sdelay $0x1  }
0x56: {  	v3 =	vperm.xlane v3, v2;
	v4 =	vadd.s32 v1, v4;
	_ =	sdelay $0x1  }
0x57: {  	v3 =	vadd.s32 v1, v3;
	_ =	sdelay $0x1  }
0x58: {  	s24 =	sor.u32 $0x4100, s21  }
0x59: {  	[tilespmem:s24], [sflag:$0x5] =	stream.indirect_vreg.gather [hbm4b:s0+s4], $0x80, v4, vm0, $0x2000b8;
	[tilespmem:$0x10100] =	vst v63  }
0x5a: {  	s25 =	sor.u32 $0x4900, s21  }
0x5b: {  	[tilespmem:s25], [sflag:$0x5] =	stream.indirect_vreg.gather [hbm4b:s0+s4], $0x80, v3, vm0, $0x2000b8;
	[tilespmem:$0x10100] =	vst v63  }
0x5c: {  	v3 =	vld [tilespmem:s22+$0x50];
	_ =	sdelay $0x4  }
0x5d: {  	v61 =	vshll.u32 v3, $0x1  }
0x5e: {  	v3 =	vand.u32 $0x7, v3;
	v4 =	vand.u32 $0xFFFFFFF0, v61  }
0x5f: {  	v3 =	vor.u32 v3, v4  }
0x60: {  	v4 =	vperm.xlane v3, v0;
	_ =	sdelay $0x1  }
0x61: {  	v3 =	vperm.xlane v3, v2;
	v4 =	vadd.s32 v1, v4;
	_ =	sdelay $0x1  }
0x62: {  	v3 =	vadd.s32 v1, v3;
	_ =	sdelay $0x1  }
0x63: {  	s26 =	sor.u32 $0x5100, s21  }
0x64: {  	[tilespmem:s26], [sflag:$0x5] =	stream.indirect_vreg.gather [hbm4b:s0+s4], $0x80, v4, vm0, $0x2000b8;
	[tilespmem:$0x10100] =	vst v63  }
0x65: {  	s28 =	sor.u32 $0x5900, s21  }
0x66: {  	[tilespmem:s28], [sflag:$0x5] =	stream.indirect_vreg.gather [hbm4b:s0+s4], $0x80, v3, vm0, $0x2000b8;
	[tilespmem:$0x10100] =	vst v63  }
0x67: {  	v3 =	vld [tilespmem:s22+$0x60];
	_ =	sdelay $0x4  }
0x68: {  	v62 =	vshll.u32 v3, $0x1  }
0x69: {  	v3 =	vand.u32 $0x7, v3;
	v4 =	vand.u32 $0xFFFFFFF0, v62  }
0x6a: {  	v3 =	vor.u32 v3, v4  }
0x6b: {  	v4 =	vperm.xlane v3, v0;
	_ =	sdelay $0x1  }
0x6c: {  	v3 =	vperm.xlane v3, v2;
	v4 =	vadd.s32 v1, v4;
	_ =	sdelay $0x1  }
0x6d: {  	v3 =	vadd.s32 v1, v3;
	_ =	sdelay $0x1  }
0x6e: {  	s29 =	sor.u32 $0x6100, s21  }
0x6f: {  	[tilespmem:s29], [sflag:$0x5] =	stream.indirect_vreg.gather [hbm4b:s0+s4], $0x80, v4, vm0, $0x2000b8;
	[tilespmem:$0x10100] =	vst v63  }
0x70: {  	s30 =	sor.u32 $0x6900, s21  }
0x71: {  	[tilespmem:s30], [sflag:$0x5] =	stream.indirect_vreg.gather [hbm4b:s0+s4], $0x80, v3, vm0, $0x2000b8;
	[tilespmem:$0x10100] =	vst v63  }
0x72: {  	v3 =	vld [tilespmem:s22+$0x70];
	_ =	sdelay $0x4  }
0x73: {  	v63 =	vshll.u32 v3, $0x1  }
0x74: {  	v3 =	vand.u32 $0x7, v3;
	v4 =	vand.u32 $0xFFFFFFF0, v63  }
0x75: {  	v3 =	vor.u32 v3, v4  }
0x76: {  	v4 =	vperm.xlane v3, v0;
	_ =	sdelay $0x1  }
0x77: {  	v3 =	vperm.xlane v3, v2;
	v4 =	vadd.s32 v1, v4;
	_ =	sdelay $0x1  }
0x78: {  	v3 =	vadd.s32 v1, v3;
	_ =	sdelay $0x1  }
0x79: {  	s31 =	sor.u32 $0x7100, s21  }
0x7a: {  	[tilespmem:s31], [sflag:$0x5] =	stream.indirect_vreg.gather [hbm4b:s0+s4], $0x80, v4, vm0, $0x2000b8;
	[tilespmem:$0x10100] =	vst v63  }
0x7b: {  	s21 =	sor.u32 $0x7900, s21  }
0x7c: {  	[tilespmem:s21], [sflag:$0x5] =	stream.indirect_vreg.gather [hbm4b:s0+s4], $0x80, v3, vm0, $0x2000b8;
	[tilespmem:$0x10100] =	vst v63  }
0x7d: {  	_ =	swait.ge [sflag:s9], $0x8000  }
0x7e: {  	p2 =	seq.s32 s12, $0x1;
	[sflag:s9] =	ssyncset.done $0x0  }
0x7f: {  	s18 =	sadd.s32 s6, s18;
	p1 =	por p2, p1;
	[sflag:s9] =	ssyncadd.s32 $0xFFFF8000  }
0x80: {  	s18 =	sshll.u32 @p1 s18, $0xC;
	_ =	strace $0x9000004B  }
0x81: {  	s18 =	sand.u32 @p1 $0x1FFFF000, s18;
	s22 =	simm.s32 $0x1;
	_ =	strace @p1 $0x8000004C  }
0x82: {  	s19 =	sadd.s32 @p1 $0x3, s19;
	s22 =	simm.s32 @!p0 $0x0;
	s21 =	rddreg [dreg:$0x6]  }
0x83: {  	p0 =	seq.s32 s12, $0x8;
	s18 =	sadd.s32 @p1 s21, s18;
	s21 =	simm.s32 @p1 $0x0  }
0x84: {  	[hbm4b:s18+s21] =	stream.linear.scatter @p1 [tilespmem:s20], [sflag:s19], $0x8000, $0x200038;
	[tilespmem:$0x10100] =	vst v63  }
0x85: {  	s18 =	simm.s32 $0x1;
	s20 =	simm.s32 $0x1;
	_ =	strace @p1 $0x9000004C  }
0x86: {  	s18 =	simm.s32 @!p1 $0x0;
	p1 =	sne.s32 s12, $0x8;
	s12 =	sadd.s32 $0xFFFFFFFF, s12  }
0x87: {  	s19 =	sand.u32 @!p0 $0x1, s14;
	s20 =	simm.s32 @!p1 $0x0;
	p1 =	sne.s32 s12, $0x0  }
.Ltmp0:
0x88: {  	s19 =	sadd.s32 @!p0 $0x3, s19;
	_ =	strace @!p0 $0x8000004D;
	(pc) =	sbr.rel @p1 .LBB2_2-.Ltmp0, $4  }
0x89: {  	_ =	swait.ge @!p0 [sflag:s19], $0x8000  }
0x8a: {  	[sflag:s19] =	ssyncset.done @!p0 $0x0  }
0x8b: {  	s17 =	sadd.s32 s22, s17;
	s15 =	sadd.s32 s18, s15;
	[sflag:s19] =	ssyncadd.s32 @!p0 $0xFFFF8000  }
0x8c: {  	s16 =	sadd.s32 s18, s16;
	s14 =	sadd.s32 s20, s14;
	_ =	strace @!p0 $0x9000004D  }
0x8d: {  	_ =	strace $0x8000004E  }
0x8e: {  	_ =	swait.ge [sflag:s10], $0x8000  }
0x8f: {  	[sflag:s10] =	ssyncset.done $0x0  }
0x90: {  	[sflag:s10] =	ssyncadd.s32 $0xFFFF8000  }
0x91: {  	s12 =	simm.s32 $0x0;
	s13 =	simm.s32 $0x1;
	_ =	strace $0x9000004E  }
0x92: {  	s14 =	simm.s32 $0x8;
	s15 =	simm.s32 $0x0;
	_ =	strace $0x8000004F  }
0x93: {  	[tilespmem:s12], [sflag:$0x1] =	stream.linear.gather [hbm4b:s7+s12], $0x80, $0x200038;
	[tilespmem:$0x10100] =	vst v63  }
0x94: {  	s16 =	simm.s32 $0x0;
	s17 =	simm.s32 $0x0;
	_ =	strace $0x9000004F  }
.LBB2_4:
0x95: {  	s18 =	smov.u32 s12;
	s12 =	sadd.s32 $0x1, s12  }
0x96: {  	p0 =	seq.s32 s12, $0x8  }
0x97: {  	s12 =	simm.s32 @p0 $0x0  }
0x98: {  	p6 =	sne.s32 s14, $0x1;
	p1 =	sne.s32 s18, s12  }
0x99: {  	p0 =	por !p6, !p1  }
0x9a: {  	p0 =	por !p0, !p0  }
0x9b: {  	s19 =	sadd.s32 @p0 s6, s12  }
0x9c: {  	s20 =	sand.u32 @p0 $0x1, s13;
	s19 =	sshll.u32 @p0 s19, $0x4  }
0x9d: {  	_ =	strace @p0 $0x80000050;
	s22 =	simm.s32 @p0 $0x0;
	s19 =	sand.u32 @p0 $0x1FFFFFF0, s19  }
0x9e: {  	s21 =	sshll.u32 @p0 s20, $0x7;
	s20 =	sadd.s32 @p0 $0x1, s20;
	s19 =	sadd.s32 @p0 s5, s19  }
0x9f: {  	[tilespmem:s21], [sflag:s20] =	stream.linear.gather @p0 [hbm4b:s19+s22], $0x80, $0x200038;
	[tilespmem:$0x10100] =	vst v63  }
0xa0: {  	s23 =	sand.u32 $0x1, s17;
	_ =	strace @p0 $0x90000050  }
0xa1: {  	s19 =	sadd.s32 $0x1, s23;
	_ =	strace $0x80000051  }
0xa2: {  	_ =	swait.ge [sflag:s19], $0x80  }
0xa3: {  	[sflag:s19] =	ssyncset.done $0x0  }
0xa4: {  	[sflag:s19] =	ssyncadd.s32 $0xFFFFFF80  }
0xa5: {  	s24 =	sshll.u32 s17, $0x7;
	_ =	strace $0x90000051  }
0xa6: {  	s22 =	sand.u32 $0x80, s24;
	_ =	strace $0x80000052  }
0xa7: {  	v3 =	vld [tilespmem:s22+$0x0];
	_ =	sdelay $0x4  }
0xa8: {  	v4 =	vshll.u32 v3, $0x1  }
0xa9: {  	v3 =	vand.u32 $0x7, v3;
	v4 =	vand.u32 $0xFFFFFFF0, v4  }
0xaa: {  	v3 =	vor.u32 v3, v4  }
0xab: {  	v4 =	vperm.xlane v3, v0;
	_ =	sdelay $0x1  }
0xac: {  	v3 =	vperm.xlane v3, v2;
	v4 =	vadd.s32 v1, v4;
	_ =	sdelay $0x1  }
0xad: {  	s19 =	sand.u32 $0x1, s16;
	v3 =	vadd.s32 v1, v3  }
0xae: {  	s21 =	sshll.u32 s19, $0xF  }
0xaf: {  	s20 =	sor.u32 $0x100, s21  }
0xb0: {  	[tilespmem:s20], [sflag:$0x5] =	stream.indirect_vreg.gather [hbm4b:s2+s4], $0x80, v4, vm0, $0x2000b8;
	[tilespmem:$0x10100] =	vst v63  }
0xb1: {  	s23 =	sor.u32 $0x900, s21  }
0xb2: {  	[tilespmem:s23], [sflag:$0x5] =	stream.indirect_vreg.gather [hbm4b:s2+s4], $0x80, v3, vm0, $0x2000b8;
	[tilespmem:$0x10100] =	vst v63  }
0xb3: {  	v3 =	vld [tilespmem:s22+$0x10];
	_ =	sdelay $0x4  }
0xb4: {  	v57 =	vshll.u32 v3, $0x1  }
0xb5: {  	v3 =	vand.u32 $0x7, v3;
	v4 =	vand.u32 $0xFFFFFFF0, v57  }
0xb6: {  	v3 =	vor.u32 v3, v4  }
0xb7: {  	v4 =	vperm.xlane v3, v0;
	_ =	sdelay $0x1  }
0xb8: {  	v3 =	vperm.xlane v3, v2;
	v4 =	vadd.s32 v1, v4;
	_ =	sdelay $0x1  }
0xb9: {  	v3 =	vadd.s32 v1, v3;
	_ =	sdelay $0x1  }
0xba: {  	s25 =	sor.u32 $0x1100, s21  }
0xbb: {  	[tilespmem:s25], [sflag:$0x5] =	stream.indirect_vreg.gather [hbm4b:s2+s4], $0x80, v4, vm0, $0x2000b8;
	[tilespmem:$0x10100] =	vst v63  }
0xbc: {  	s26 =	sor.u32 $0x1900, s21  }
0xbd: {  	[tilespmem:s26], [sflag:$0x5] =	stream.indirect_vreg.gather [hbm4b:s2+s4], $0x80, v3, vm0, $0x2000b8;
	[tilespmem:$0x10100] =	vst v63  }
0xbe: {  	v3 =	vld [tilespmem:s22+$0x20];
	_ =	sdelay $0x4  }
0xbf: {  	v58 =	vshll.u32 v3, $0x1  }
0xc0: {  	v3 =	vand.u32 $0x7, v3;
	v4 =	vand.u32 $0xFFFFFFF0, v58  }
0xc1: {  	v3 =	vor.u32 v3, v4  }
0xc2: {  	v4 =	vperm.xlane v3, v0;
	_ =	sdelay $0x1  }
0xc3: {  	v3 =	vperm.xlane v3, v2;
	v4 =	vadd.s32 v1, v4;
	_ =	sdelay $0x1  }
0xc4: {  	v3 =	vadd.s32 v1, v3;
	_ =	sdelay $0x1  }
0xc5: {  	s28 =	sor.u32 $0x2100, s21  }
0xc6: {  	[tilespmem:s28], [sflag:$0x5] =	stream.indirect_vreg.gather [hbm4b:s2+s4], $0x80, v4, vm0, $0x2000b8;
	[tilespmem:$0x10100] =	vst v63  }
0xc7: {  	s29 =	sor.u32 $0x2900, s21  }
0xc8: {  	[tilespmem:s29], [sflag:$0x5] =	stream.indirect_vreg.gather [hbm4b:s2+s4], $0x80, v3, vm0, $0x2000b8;
	[tilespmem:$0x10100] =	vst v63  }
0xc9: {  	v3 =	vld [tilespmem:s22+$0x30];
	_ =	sdelay $0x4  }
0xca: {  	v59 =	vshll.u32 v3, $0x1  }
0xcb: {  	v3 =	vand.u32 $0x7, v3;
	v4 =	vand.u32 $0xFFFFFFF0, v59  }
0xcc: {  	v3 =	vor.u32 v3, v4  }
0xcd: {  	v4 =	vperm.xlane v3, v0;
	_ =	sdelay $0x1  }
0xce: {  	v3 =	vperm.xlane v3, v2;
	v4 =	vadd.s32 v1, v4;
	_ =	sdelay $0x1  }
0xcf: {  	v3 =	vadd.s32 v1, v3;
	_ =	sdelay $0x1  }
0xd0: {  	s30 =	sor.u32 $0x3100, s21  }
0xd1: {  	[tilespmem:s30], [sflag:$0x5] =	stream.indirect_vreg.gather [hbm4b:s2+s4], $0x80, v4, vm0, $0x2000b8;
	[tilespmem:$0x10100] =	vst v63  }
0xd2: {  	s31 =	sor.u32 $0x3900, s21  }
0xd3: {  	[tilespmem:s31], [sflag:$0x5] =	stream.indirect_vreg.gather [hbm4b:s2+s4], $0x80, v3, vm0, $0x2000b8;
	[tilespmem:$0x10100] =	vst v63  }
0xd4: {  	v3 =	vld [tilespmem:s22+$0x40];
	_ =	sdelay $0x4  }
0xd5: {  	v60 =	vshll.u32 v3, $0x1  }
0xd6: {  	v3 =	vand.u32 $0x7, v3;
	v4 =	vand.u32 $0xFFFFFFF0, v60  }
0xd7: {  	v3 =	vor.u32 v3, v4  }
0xd8: {  	v4 =	vperm.xlane v3, v0;
	_ =	sdelay $0x1  }
0xd9: {  	v3 =	vperm.xlane v3, v2;
	v4 =	vadd.s32 v1, v4;
	_ =	sdelay $0x1  }
0xda: {  	v3 =	vadd.s32 v1, v3;
	_ =	sdelay $0x1  }
0xdb: {  	s24 =	sor.u32 $0x4100, s21  }
0xdc: {  	[tilespmem:s24], [sflag:$0x5] =	stream.indirect_vreg.gather [hbm4b:s2+s4], $0x80, v4, vm0, $0x2000b8;
	[tilespmem:$0x10100] =	vst v63  }
0xdd: {  	s25 =	sor.u32 $0x4900, s21  }
0xde: {  	[tilespmem:s25], [sflag:$0x5] =	stream.indirect_vreg.gather [hbm4b:s2+s4], $0x80, v3, vm0, $0x2000b8;
	[tilespmem:$0x10100] =	vst v63  }
0xdf: {  	v3 =	vld [tilespmem:s22+$0x50];
	_ =	sdelay $0x4  }
0xe0: {  	v61 =	vshll.u32 v3, $0x1  }
0xe1: {  	v3 =	vand.u32 $0x7, v3;
	v4 =	vand.u32 $0xFFFFFFF0, v61  }
0xe2: {  	v3 =	vor.u32 v3, v4  }
0xe3: {  	v4 =	vperm.xlane v3, v0;
	_ =	sdelay $0x1  }
0xe4: {  	v3 =	vperm.xlane v3, v2;
	v4 =	vadd.s32 v1, v4;
	_ =	sdelay $0x1  }
0xe5: {  	v3 =	vadd.s32 v1, v3;
	_ =	sdelay $0x1  }
0xe6: {  	s26 =	sor.u32 $0x5100, s21  }
0xe7: {  	[tilespmem:s26], [sflag:$0x5] =	stream.indirect_vreg.gather [hbm4b:s2+s4], $0x80, v4, vm0, $0x2000b8;
	[tilespmem:$0x10100] =	vst v63  }
0xe8: {  	s28 =	sor.u32 $0x5900, s21  }
0xe9: {  	[tilespmem:s28], [sflag:$0x5] =	stream.indirect_vreg.gather [hbm4b:s2+s4], $0x80, v3, vm0, $0x2000b8;
	[tilespmem:$0x10100] =	vst v63  }
0xea: {  	v3 =	vld [tilespmem:s22+$0x60];
	_ =	sdelay $0x4  }
0xeb: {  	v62 =	vshll.u32 v3, $0x1  }
0xec: {  	v3 =	vand.u32 $0x7, v3;
	v4 =	vand.u32 $0xFFFFFFF0, v62  }
0xed: {  	v3 =	vor.u32 v3, v4  }
0xee: {  	v4 =	vperm.xlane v3, v0;
	_ =	sdelay $0x1  }
0xef: {  	v3 =	vperm.xlane v3, v2;
	v4 =	vadd.s32 v1, v4;
	_ =	sdelay $0x1  }
0xf0: {  	v3 =	vadd.s32 v1, v3;
	_ =	sdelay $0x1  }
0xf1: {  	s29 =	sor.u32 $0x6100, s21  }
0xf2: {  	[tilespmem:s29], [sflag:$0x5] =	stream.indirect_vreg.gather [hbm4b:s2+s4], $0x80, v4, vm0, $0x2000b8;
	[tilespmem:$0x10100] =	vst v63  }
0xf3: {  	s30 =	sor.u32 $0x6900, s21  }
0xf4: {  	[tilespmem:s30], [sflag:$0x5] =	stream.indirect_vreg.gather [hbm4b:s2+s4], $0x80, v3, vm0, $0x2000b8;
	[tilespmem:$0x10100] =	vst v63  }
0xf5: {  	v3 =	vld [tilespmem:s22+$0x70];
	_ =	sdelay $0x4  }
0xf6: {  	v63 =	vshll.u32 v3, $0x1  }
0xf7: {  	v3 =	vand.u32 $0x7, v3;
	v4 =	vand.u32 $0xFFFFFFF0, v63  }
0xf8: {  	v3 =	vor.u32 v3, v4  }
0xf9: {  	v4 =	vperm.xlane v3, v0;
	_ =	sdelay $0x1  }
0xfa: {  	v3 =	vperm.xlane v3, v2;
	v4 =	vadd.s32 v1, v4;
	_ =	sdelay $0x1  }
0xfb: {  	v3 =	vadd.s32 v1, v3;
	_ =	sdelay $0x1  }
0xfc: {  	s31 =	sor.u32 $0x7100, s21  }
0xfd: {  	[tilespmem:s31], [sflag:$0x5] =	stream.indirect_vreg.gather [hbm4b:s2+s4], $0x80, v4, vm0, $0x2000b8;
	[tilespmem:$0x10100] =	vst v63  }
0xfe: {  	s21 =	sor.u32 $0x7900, s21  }
0xff: {  	[tilespmem:s21], [sflag:$0x5] =	stream.indirect_vreg.gather [hbm4b:s2+s4], $0x80, v3, vm0, $0x2000b8;
	[tilespmem:$0x10100] =	vst v63  }
0x100: {  	_ =	swait.ge [sflag:s9], $0x8000  }
0x101: {  	p2 =	seq.s32 s14, $0x1;
	[sflag:s9] =	ssyncset.done $0x0  }
0x102: {  	s18 =	sadd.s32 s6, s18;
	p1 =	por p2, p1;
	[sflag:s9] =	ssyncadd.s32 $0xFFFF8000  }
0x103: {  	s18 =	sshll.u32 @p1 s18, $0xC;
	_ =	strace $0x90000052  }
0x104: {  	s18 =	sand.u32 @p1 $0x1FFFF000, s18;
	s22 =	simm.s32 $0x1;
	_ =	strace @p1 $0x80000053  }
0x105: {  	s19 =	sadd.s32 @p1 $0x3, s19;
	s22 =	simm.s32 @!p0 $0x0;
	s21 =	rddreg [dreg:$0x7]  }
0x106: {  	p0 =	seq.s32 s14, $0x8;
	s18 =	sadd.s32 @p1 s21, s18;
	s21 =	simm.s32 @p1 $0x0  }
0x107: {  	[hbm4b:s18+s21] =	stream.linear.scatter @p1 [tilespmem:s20], [sflag:s19], $0x8000, $0x200038;
	[tilespmem:$0x10100] =	vst v63  }
0x108: {  	s18 =	simm.s32 $0x1;
	s20 =	simm.s32 $0x1;
	_ =	strace @p1 $0x90000053  }
0x109: {  	s18 =	simm.s32 @!p1 $0x0;
	p1 =	sne.s32 s14, $0x8;
	s14 =	sadd.s32 $0xFFFFFFFF, s14  }
0x10a: {  	s19 =	sand.u32 @!p0 $0x1, s15;
	s20 =	simm.s32 @!p1 $0x0;
	p1 =	sne.s32 s14, $0x0  }
.Ltmp1:
0x10b: {  	s19 =	sadd.s32 @!p0 $0x3, s19;
	_ =	strace @!p0 $0x80000054;
	(pc) =	sbr.rel @p1 .LBB2_4-.Ltmp1, $4  }
0x10c: {  	_ =	swait.ge @!p0 [sflag:s19], $0x8000  }
0x10d: {  	[sflag:s19] =	ssyncset.done @!p0 $0x0  }
0x10e: {  	s13 =	sadd.s32 s22, s13;
	s16 =	sadd.s32 s18, s16;
	[sflag:s19] =	ssyncadd.s32 @!p0 $0xFFFF8000  }
0x10f: {  	s17 =	sadd.s32 s18, s17;
	s15 =	sadd.s32 s20, s15;
	_ =	strace @!p0 $0x90000054  }
0x110: {  	s11 =	sadd.s32 $0x1, s11  }
0x111: {  	p0 =	sne.s32 s11, s8  }
.Ltmp2:
0x112: {  	_ =	strace $0x80000055;
	(pc) =	sbr.rel @p0 .LBB2_1-.Ltmp2, $4  }
0x113: {  	_ =	swait.ge [sflag:s10], $0x8000  }
0x114: {  	[sflag:s10] =	ssyncset.done $0x0  }
0x115: {  	[sflag:s10] =	ssyncadd.s32 $0xFFFF8000  }
0x116: {  	_ =	strace $0x90000055  }
0x117: {  	_ =	sfence.sel $0x180000  }
0x118: {  	[bflag:$0x0] =	sbarrier.arrive $0xFFFF  }
0x119: {  	p0 =	sne.s32 s3, $0x0;
	_ =	strace $0x90000047  }
0x11a: {  	s0 =	sadd.s32 @!p0 $0x100000, s1;
	[bflag:$0x2] =	sbarrier.arrive $0xFFFF  }
0x11b: {  	[sflag:s0] =	ssyncadd.tile.s32 @!p0 $0x1;
	_ =	shalt  }
.Lfunc_end2:
_tile_overlayer_lowered:
.L_overlay_start_2:
0x11c: {  	(tag) =	ssettag $0x2  }
0x11d: {  	s0 =	rddreg [dreg:$0x0];
	s2 =	stileid.u32  }
0x11e: {  	s1 =	rddreg [dreg:$0x1];
	p0 =	sne.s32 s2, $0x0  }
0x11f: {  	s3 =	rddreg [dreg:$0x2];
	[bflag:$0x3] =	sbarrier.arrive $0xFFFF;
	s2 =	simm.s32 @!p0 $0x1C01  }
0x120: {  	[timem:s3], [sflag:s2] =	dma.local @!p0 [hbm:s0], s1  }
0x121: {  	s0 =	simm.s32 @!p0 $0x1  }
0x122: {  	_ =	swait.ge @!p0 [sflag:s0], s1  }
0x123: {  	s1 =	ssub.s32 @!p0 $0x0, s1;
	[sflag:s0] =	ssyncset.done @!p0 $0x0  }
0x124: {  	[sflag:s0] =	ssyncadd.s32 @!p0 s1  }
0x125: {  	[bflag:$0x3] =	sbarrier.arrive $0xFFFF  }
0x126: {  	_ =	shalt  }

</sc_bundles>
